<compile_context>
chip_gen: v7x
topology: tpu7x:2x2x1
jax: 0.10.2.dev20260603
libtpu: 0.0.44.dev20260713+nightly
codegen_flags: <defaults>
</compile_context>

<pallas_src>
import functools
import math

import jax
import jax.numpy as jnp
from jax import lax
from jax.experimental import pallas as pl
from jax.experimental.pallas import tpu as pltpu
from jax.experimental.pallas import tpu_sc as plsc

NUM_EMB = 100000
INNER = 16
EMB = 96
B = 16384
L = 200


_ROWS_PER_BLOCK = 4000
EMB_PAD = 128


def _transform_body(table_ref, w_ref, b_ref, gamma_ref, beta_ref, out_ref):
    x = jnp.dot(table_ref[...], w_ref[...], preferred_element_type=jnp.float32)
    x = x + b_ref[...]
    mean = jnp.sum(x, axis=-1, keepdims=True) * (1.0 / EMB)
    mask = lax.broadcasted_iota(jnp.int32, x.shape, 1) < EMB
    xc = jnp.where(mask, x - mean, 0.0)
    var = jnp.sum(xc * xc, axis=-1, keepdims=True) * (1.0 / EMB)
    y = xc * lax.rsqrt(var + 1e-5)
    y = y * gamma_ref[...] + beta_ref[...]
    out_ref[...] = y * 0.5 * (1.0 + lax.erf(y * (1.0 / math.sqrt(2.0))))


def _transform_table(table, W, b2, gamma2, beta2):
    grid = (NUM_EMB // _ROWS_PER_BLOCK,)
    return pl.pallas_call(
        _transform_body,
        grid=grid,
        in_specs=[
            pl.BlockSpec((_ROWS_PER_BLOCK, INNER), lambda i: (i, 0)),
            pl.BlockSpec((INNER, EMB_PAD), lambda i: (0, 0)),
            pl.BlockSpec((1, EMB_PAD), lambda i: (0, 0)),
            pl.BlockSpec((1, EMB_PAD), lambda i: (0, 0)),
            pl.BlockSpec((1, EMB_PAD), lambda i: (0, 0)),
        ],
        out_specs=pl.BlockSpec((_ROWS_PER_BLOCK, EMB_PAD), lambda i: (i, 0)),
        out_shape=jax.ShapeDtypeStruct((NUM_EMB, EMB_PAD), jnp.float32),
    )(table, W, b2, gamma2, beta2)



N = B * L
_NC, _NS = 2, 16
_NW = _NC * _NS
_CHUNK = 400


@functools.cache
def _make_gather_kernel(ntok):
    per_w = ntok // _NW
    n_chunks = per_w // _CHUNK

    @functools.partial(
        pl.kernel,
        mesh=plsc.VectorSubcoreMesh(core_axis_name="c", subcore_axis_name="s"),
        out_type=jax.ShapeDtypeStruct((ntok, EMB_PAD), jnp.float32),
        scratch_types=[
            pltpu.VMEM((_CHUNK,), jnp.int32),
            pltpu.VMEM((_CHUNK,), jnp.int32),
            pltpu.VMEM((_CHUNK, EMB_PAD), jnp.float32),
            pltpu.VMEM((_CHUNK, EMB_PAD), jnp.float32),
            pltpu.SemaphoreType.DMA,
            pltpu.SemaphoreType.DMA,
            pltpu.SemaphoreType.DMA,
            pltpu.SemaphoreType.DMA,
        ],
    )
    def _gather_kernel(table_hbm, idx_hbm, out_hbm,
                       idxa, idxb, raw0, raw1,
                       g0, g1, o0, o1):
        wid = lax.axis_index("s") * _NC + lax.axis_index("c")
        tbase = wid * per_w
        raw = (raw0, raw1)
        gsem = (g0, g1)
        osem = (o0, o1)
        idx_v = (idxa, idxb)

        def issue_gather(s, k):
            pltpu.sync_copy(idx_hbm.at[pl.ds(tbase + k * _CHUNK, _CHUNK)],
                            idx_v[s])
            pltpu.async_copy(table_hbm.at[idx_v[s]], raw[s], gsem[s])

        def wait_gather(s, k):
            pltpu.make_async_copy(table_hbm.at[idx_v[s]], raw[s],
                                  gsem[s]).wait()

        def out_dst(k):
            return out_hbm.at[pl.ds(tbase + k * _CHUNK, _CHUNK)]

        issue_gather(0, 0)
        issue_gather(1, 1)

        def handle(s, k):
            wait_gather(s, k)
            pltpu.async_copy(raw[s], out_dst(k), osem[s])

            @pl.when(k + 2 < n_chunks)
            def _():
                pltpu.make_async_copy(raw[s], out_dst(k), osem[s]).wait()
                issue_gather(s, k + 2)

        def body(i2, carry):
            handle(0, 2 * i2)
            handle(1, 2 * i2 + 1)
            return carry

        lax.fori_loop(0, n_chunks // 2, body, 0)

        pltpu.make_async_copy(raw[0], out_dst(n_chunks - 2),
                              osem[0]).wait()
        pltpu.make_async_copy(raw[1], out_dst(n_chunks - 1),
                              osem[1]).wait()

    return _gather_kernel



_BB = 16
_G1 = (N // 2) // (_BB * L)


def _merge_body(h1_ref, h2_ref, out_ref):
    i = pl.program_id(0)

    @pl.when(i < _G1)
    def _():
        out_ref[...] = h1_ref[:, :EMB].reshape(_BB, L, EMB)

    @pl.when(i >= _G1)
    def _():
        out_ref[...] = h2_ref[:, :EMB].reshape(_BB, L, EMB)


def _merge(h1, h2):
    return pl.pallas_call(
        _merge_body,
        grid=(2 * _G1,),
        in_specs=[
            pl.BlockSpec((_BB * L, EMB_PAD),
                         lambda i: (jnp.minimum(i, _G1 - 1), 0)),
            pl.BlockSpec((_BB * L, EMB_PAD),
                         lambda i: (jnp.maximum(i - _G1, 0), 0)),
        ],
        out_specs=pl.BlockSpec((_BB, L, EMB), lambda i: (i, 0, 0)),
        out_shape=jax.ShapeDtypeStruct((B, L, EMB), jnp.float32),
    )(h1, h2)




def kernel(embryo_type, table, W, b, gamma, beta):
    pad = EMB_PAD - EMB
    table2 = _transform_table(
        table,
        jnp.pad(W, ((0, 0), (0, pad))),
        jnp.pad(b.reshape(1, EMB), ((0, 0), (0, pad))),
        jnp.pad(gamma.reshape(1, EMB), ((0, 0), (0, pad))),
        jnp.pad(beta.reshape(1, EMB), ((0, 0), (0, pad))),
    )
    idx = embryo_type.reshape(N).astype(jnp.int32)
    gk = _make_gather_kernel(N // 2)
    h1 = gk(table2, idx[:N // 2])
    h2 = gk(table2, idx[N // 2:])
    return _merge(h1, h2)

# --- scband reference (transcript-rebuilt; emitter-appended) ---
"""Pipeline reference for scband-embryo-type-encoder-2611340116611 (READ-ONLY COPY).

The authoritative reference and input builder live on the scoring server;
editing this copy changes nothing except your own understanding.
"""

import jax, jax.numpy as jnp
import numpy as np

NUM_EMB = 100000
INNER = 16
EMB = 96
B = 16384
L = 200

def setup_inputs(seed: int = 0) -> dict:
    key = jax.random.key(seed)
    k1, k2, k3, k4 = jax.random.split(key, 4)
    embryo_type = jax.random.randint(k1, (B, L), 0, NUM_EMB, dtype=jnp.int64) if jax.config.jax_enable_x64 else jax.random.randint(k1, (B, L), 0, NUM_EMB, dtype=jnp.int32)
    table = jax.random.normal(k2, (NUM_EMB, INNER), dtype=jnp.float32)
    bound = 1.0 / np.sqrt(INNER)
    W = jax.random.uniform(k3, (INNER, EMB), dtype=jnp.float32, minval=-bound, maxval=bound)
    b = jax.random.uniform(k4, (EMB,), dtype=jnp.float32, minval=-bound, maxval=bound)
    gamma = jnp.ones((EMB,), dtype=jnp.float32)
    beta = jnp.zeros((EMB,), dtype=jnp.float32)
    return {"embryo_type": embryo_type, "table": table, "W": W, "b": b, "gamma": gamma, "beta": beta}

def reference(embryo_type, table, W, b, gamma, beta):
    # nn.Embedding lookup
    x = jnp.take(table, embryo_type, axis=0)  # [B, L, INNER]
    # nn.Linear
    x = jnp.einsum('bli,io->blo', x, W) + b  # [B, L, EMB]
    # nn.LayerNorm (eps=1e-5, elementwise affine)
    mean = jnp.mean(x, axis=-1, keepdims=True)
    var = jnp.mean((x - mean) ** 2, axis=-1, keepdims=True)
    x = (x - mean) / jnp.sqrt(var + 1e-5)
    x = x * gamma + beta
    # nn.GELU (exact erf, torch default)
    x = jax.nn.gelu(x, approximate=False)
    # Dropout is identity in eval mode
    return x

if __name__ == "__main__":
    import jax
    _d = setup_inputs()
    print(jax.jit(kernel)(*tuple(_d.values())))

</pallas_src>

<mosaic_0001>
#map = affine_map<(d0, d1) -> (0, 0)>
#map1 = affine_map<(d0, d1) -> (0)>
module attributes {stable_mosaic.version = 14 : i64} {
  func.func @_gather_kernel(%arg0: i32, %arg1: i32, %arg2: memref<100000x128xf32, #tpu.memory_space<hbm>>, %arg3: memref<1638400xi32, #tpu.memory_space<hbm>>, %arg4: memref<1638400x128xf32, #tpu.memory_space<hbm>>, %arg5: memref<400xi32, #tpu.memory_space<vmem>>, %arg6: memref<400xi32, #tpu.memory_space<vmem>>, %arg7: memref<400x128xf32, #tpu.memory_space<vmem>>, %arg8: memref<400x128xf32, #tpu.memory_space<vmem>>, %arg9: memref<!tpu.dma_semaphore, #tpu.memory_space<semaphore_mem>>, %arg10: memref<!tpu.dma_semaphore, #tpu.memory_space<semaphore_mem>>, %arg11: memref<!tpu.dma_semaphore, #tpu.memory_space<semaphore_mem>>, %arg12: memref<!tpu.dma_semaphore, #tpu.memory_space<semaphore_mem>>) attributes {dimension_semantics = [#tpu.dimension_semantics<core_parallel>, #tpu.dimension_semantics<subcore_parallel>], iteration_bounds = array<i64: 2, 16>, scalar_prefetch = 0 : i64, scratch_operands = 8 : i64, tpu.core_type = #tpu.core_type<sc_vector_subcore>, window_params = [{transform_indices = #map}, {transform_indices = #map1}, {transform_indices = #map}]} {
    %mul3A = arith.constant 2 : i32
    %mul3A_0 = arith.muli %arg1, %mul3A : i32
    %add3A = arith.addi %mul3A_0, %arg0 : i32
    %mul3A_1 = arith.constant 51200 : i32
    %mul3A_2 = arith.muli %add3A, %mul3A_1 : i32
    %add3A_3 = arith.constant 0 : i32
    %add3A_4 = arith.addi %mul3A_2, %add3A_3 : i32
    "tpu.region"() ({
      %run_scoped3A = tpu.sem_alloc : memref<!tpu.dma_semaphore, #tpu.memory_space<semaphore_mem>>
      %dma_start3A_28 = tpu.memref_slice %arg3[%add3A_4] : memref<1638400xi32, #tpu.memory_space<hbm>> -> memref<400xi32, #tpu.memory_space<hbm>>
      %dma_start3A_29 = tpu.memref_slice %arg3[%add3A_4] : memref<1638400xi32, #tpu.memory_space<hbm>> -> memref<400xi32, #tpu.memory_space<hbm>>
      tpu.enqueue_dma source(%dma_start3A_29 : memref<400xi32, #tpu.memory_space<hbm>>) target(%arg5 : memref<400xi32, #tpu.memory_space<vmem>>) target_semaphore(%run_scoped3A : memref<!tpu.dma_semaphore, #tpu.memory_space<semaphore_mem>>)
      %dma_wait3A_30 = tpu.memref_slice %arg3[%add3A_4] : memref<1638400xi32, #tpu.memory_space<hbm>> -> memref<400xi32, #tpu.memory_space<hbm>>
      %dma_wait3A_31 = tpu.memref_slice %arg3[%add3A_4] : memref<1638400xi32, #tpu.memory_space<hbm>> -> memref<400xi32, #tpu.memory_space<hbm>>
      tpu.wait_dma2 semaphore(%run_scoped3A : memref<!tpu.dma_semaphore, #tpu.memory_space<semaphore_mem>>) src(%dma_wait3A_31 : memref<400xi32, #tpu.memory_space<hbm>>) dst(%arg5 : memref<400xi32, #tpu.memory_space<vmem>>)
      tpu.yield
    }) : () -> ()
    %dma_start3A = arith.constant 0 : i32
    %dma_start3A_5 = arith.constant 0 : i32
    %dma_start3A_6 = tpu.memref_slice %arg2[%dma_start3A, %dma_start3A_5] : memref<100000x128xf32, #tpu.memory_space<hbm>> -> memref<100000x128xf32, #tpu.memory_space<hbm>>
    tpu.enqueue_indirect_dma source(%dma_start3A_6 : memref<100000x128xf32, #tpu.memory_space<hbm>>) target(%arg7 : memref<400x128xf32, #tpu.memory_space<vmem>>) offsets(%arg5 : memref<400xi32, #tpu.memory_space<vmem>>) semaphore(%arg9 : memref<!tpu.dma_semaphore, #tpu.memory_space<semaphore_mem>>)
    %add3A_7 = arith.constant 400 : i32
    %add3A_8 = arith.addi %mul3A_2, %add3A_7 : i32
    "tpu.region"() ({
      %run_scoped3A = tpu.sem_alloc : memref<!tpu.dma_semaphore, #tpu.memory_space<semaphore_mem>>
      %dma_start3A_28 = tpu.memref_slice %arg3[%add3A_8] : memref<1638400xi32, #tpu.memory_space<hbm>> -> memref<400xi32, #tpu.memory_space<hbm>>
      %dma_start3A_29 = tpu.memref_slice %arg3[%add3A_8] : memref<1638400xi32, #tpu.memory_space<hbm>> -> memref<400xi32, #tpu.memory_space<hbm>>
      tpu.enqueue_dma source(%dma_start3A_29 : memref<400xi32, #tpu.memory_space<hbm>>) target(%arg6 : memref<400xi32, #tpu.memory_space<vmem>>) target_semaphore(%run_scoped3A : memref<!tpu.dma_semaphore, #tpu.memory_space<semaphore_mem>>)
      %dma_wait3A_30 = tpu.memref_slice %arg3[%add3A_8] : memref<1638400xi32, #tpu.memory_space<hbm>> -> memref<400xi32, #tpu.memory_space<hbm>>
      %dma_wait3A_31 = tpu.memref_slice %arg3[%add3A_8] : memref<1638400xi32, #tpu.memory_space<hbm>> -> memref<400xi32, #tpu.memory_space<hbm>>
      tpu.wait_dma2 semaphore(%run_scoped3A : memref<!tpu.dma_semaphore, #tpu.memory_space<semaphore_mem>>) src(%dma_wait3A_31 : memref<400xi32, #tpu.memory_space<hbm>>) dst(%arg6 : memref<400xi32, #tpu.memory_space<vmem>>)
      tpu.yield
    }) : () -> ()
    %dma_start3A_9 = arith.constant 0 : i32
    %dma_start3A_10 = arith.constant 0 : i32
    %dma_start3A_11 = tpu.memref_slice %arg2[%dma_start3A_9, %dma_start3A_10] : memref<100000x128xf32, #tpu.memory_space<hbm>> -> memref<100000x128xf32, #tpu.memory_space<hbm>>
    tpu.enqueue_indirect_dma source(%dma_start3A_11 : memref<100000x128xf32, #tpu.memory_space<hbm>>) target(%arg8 : memref<400x128xf32, #tpu.memory_space<vmem>>) offsets(%arg6 : memref<400xi32, #tpu.memory_space<vmem>>) semaphore(%arg10 : memref<!tpu.dma_semaphore, #tpu.memory_space<semaphore_mem>>)
    %scan3A = arith.constant 0 : i32
    %scan3A_12 = arith.constant 0 : i32
    %scan3A_13 = arith.constant 64 : i32
    %scan3A_14 = arith.addi %scan3A_12, %scan3A_13 : i32
    %scan3A_15 = arith.constant 1 : i32
    scf.for %scan3A_28 = %scan3A_12 to %scan3A_14 step %scan3A_15  : i32 {
      %mul3A_29 = arith.constant 2 : i32
      %mul3A_30 = arith.muli %mul3A_29, %scan3A_28 : i32
      %dma_wait3A_31 = arith.constant 0 : i32
      %dma_wait3A_32 = arith.constant 0 : i32
      %dma_wait3A_33 = tpu.memref_slice %arg2[%dma_wait3A_31, %dma_wait3A_32] : memref<100000x128xf32, #tpu.memory_space<hbm>> -> memref<100000x128xf32, #tpu.memory_space<hbm>>
      tpu.wait_indirect_dma semaphore(%arg9 : memref<!tpu.dma_semaphore, #tpu.memory_space<semaphore_mem>>) src(%dma_wait3A_33 : memref<100000x128xf32, #tpu.memory_space<hbm>>) dst(%arg7 : memref<400x128xf32, #tpu.memory_space<vmem>>)
      %mul3A_34 = arith.constant 400 : i32
      %mul3A_35 = arith.muli %mul3A_30, %mul3A_34 : i32
      %add3A_36 = arith.addi %mul3A_2, %mul3A_35 : i32
      %dma_start3A_37 = arith.constant 0 : i32
      %dma_start3A_38 = tpu.memref_slice %arg4[%add3A_36, %dma_start3A_37] : memref<1638400x128xf32, #tpu.memory_space<hbm>> -> memref<400x128xf32, #tpu.memory_space<hbm>>
      %dma_start3A_39 = arith.constant 0 : i32
      %dma_start3A_40 = tpu.memref_slice %arg4[%add3A_36, %dma_start3A_39] : memref<1638400x128xf32, #tpu.memory_space<hbm>> -> memref<400x128xf32, #tpu.memory_space<hbm>>
      tpu.enqueue_dma source(%arg7 : memref<400x128xf32, #tpu.memory_space<vmem>>) target(%dma_start3A_40 : memref<400x128xf32, #tpu.memory_space<hbm>>) target_semaphore(%arg11 : memref<!tpu.dma_semaphore, #tpu.memory_space<semaphore_mem>>)
      %add3A_41 = arith.constant 2 : i32
      %add3A_42 = arith.addi %mul3A_30, %add3A_41 : i32
      %lt3A = arith.constant 128 : i32
      %lt3A_43 = arith.cmpi slt, %add3A_42, %lt3A : i32
      %convert_element_type3A = arith.extui %lt3A_43 : i1 to i32
      %cond3A = arith.constant 0 : i32
      %cond3A_44 = arith.cmpi ne, %convert_element_type3A, %cond3A : i32
      scf.if %cond3A_44 {
        %mul3A_66 = arith.constant 400 : i32
        %mul3A_67 = arith.muli %mul3A_30, %mul3A_66 : i32
        %add3A_68 = arith.addi %mul3A_2, %mul3A_67 : i32
        %dma_wait3A_69 = arith.constant 0 : i32
        %dma_wait3A_70 = tpu.memref_slice %arg4[%add3A_68, %dma_wait3A_69] : memref<1638400x128xf32, #tpu.memory_space<hbm>> -> memref<400x128xf32, #tpu.memory_space<hbm>>
        %dma_wait3A_71 = arith.constant 0 : i32
        %dma_wait3A_72 = tpu.memref_slice %arg4[%add3A_68, %dma_wait3A_71] : memref<1638400x128xf32, #tpu.memory_space<hbm>> -> memref<400x128xf32, #tpu.memory_space<hbm>>
        tpu.wait_dma2 semaphore(%arg11 : memref<!tpu.dma_semaphore, #tpu.memory_space<semaphore_mem>>) src(%arg7 : memref<400x128xf32, #tpu.memory_space<vmem>>) dst(%dma_wait3A_72 : memref<400x128xf32, #tpu.memory_space<hbm>>)
        %add3A_73 = arith.constant 2 : i32
        %add3A_74 = arith.addi %mul3A_30, %add3A_73 : i32
        %mul3A_75 = arith.constant 400 : i32
        %mul3A_76 = arith.muli %add3A_74, %mul3A_75 : i32
        %add3A_77 = arith.addi %mul3A_2, %mul3A_76 : i32
        "tpu.region"() ({
          %run_scoped3A = tpu.sem_alloc : memref<!tpu.dma_semaphore, #tpu.memory_space<semaphore_mem>>
          %dma_start3A_81 = tpu.memref_slice %arg3[%add3A_77] : memref<1638400xi32, #tpu.memory_space<hbm>> -> memref<400xi32, #tpu.memory_space<hbm>>
          %dma_start3A_82 = tpu.memref_slice %arg3[%add3A_77] : memref<1638400xi32, #tpu.memory_space<hbm>> -> memref<400xi32, #tpu.memory_space<hbm>>
          tpu.enqueue_dma source(%dma_start3A_82 : memref<400xi32, #tpu.memory_space<hbm>>) target(%arg5 : memref<400xi32, #tpu.memory_space<vmem>>) target_semaphore(%run_scoped3A : memref<!tpu.dma_semaphore, #tpu.memory_space<semaphore_mem>>)
          %dma_wait3A_83 = tpu.memref_slice %arg3[%add3A_77] : memref<1638400xi32, #tpu.memory_space<hbm>> -> memref<400xi32, #tpu.memory_space<hbm>>
          %dma_wait3A_84 = tpu.memref_slice %arg3[%add3A_77] : memref<1638400xi32, #tpu.memory_space<hbm>> -> memref<400xi32, #tpu.memory_space<hbm>>
          tpu.wait_dma2 semaphore(%run_scoped3A : memref<!tpu.dma_semaphore, #tpu.memory_space<semaphore_mem>>) src(%dma_wait3A_84 : memref<400xi32, #tpu.memory_space<hbm>>) dst(%arg5 : memref<400xi32, #tpu.memory_space<vmem>>)
          tpu.yield
        }) : () -> ()
        %dma_start3A_78 = arith.constant 0 : i32
        %dma_start3A_79 = arith.constant 0 : i32
        %dma_start3A_80 = tpu.memref_slice %arg2[%dma_start3A_78, %dma_start3A_79] : memref<100000x128xf32, #tpu.memory_space<hbm>> -> memref<100000x128xf32, #tpu.memory_space<hbm>>
        tpu.enqueue_indirect_dma source(%dma_start3A_80 : memref<100000x128xf32, #tpu.memory_space<hbm>>) target(%arg7 : memref<400x128xf32, #tpu.memory_space<vmem>>) offsets(%arg5 : memref<400xi32, #tpu.memory_space<vmem>>) semaphore(%arg9 : memref<!tpu.dma_semaphore, #tpu.memory_space<semaphore_mem>>)
      } else {
      }
      %mul3A_45 = arith.constant 2 : i32
      %mul3A_46 = arith.muli %mul3A_45, %scan3A_28 : i32
      %add3A_47 = arith.constant 1 : i32
      %add3A_48 = arith.addi %mul3A_46, %add3A_47 : i32
      %dma_wait3A_49 = arith.constant 0 : i32
      %dma_wait3A_50 = arith.constant 0 : i32
      %dma_wait3A_51 = tpu.memref_slice %arg2[%dma_wait3A_49, %dma_wait3A_50] : memref<100000x128xf32, #tpu.memory_space<hbm>> -> memref<100000x128xf32, #tpu.memory_space<hbm>>
      tpu.wait_indirect_dma semaphore(%arg10 : memref<!tpu.dma_semaphore, #tpu.memory_space<semaphore_mem>>) src(%dma_wait3A_51 : memref<100000x128xf32, #tpu.memory_space<hbm>>) dst(%arg8 : memref<400x128xf32, #tpu.memory_space<vmem>>)
      %mul3A_52 = arith.constant 400 : i32
      %mul3A_53 = arith.muli %add3A_48, %mul3A_52 : i32
      %add3A_54 = arith.addi %mul3A_2, %mul3A_53 : i32
      %dma_start3A_55 = arith.constant 0 : i32
      %dma_start3A_56 = tpu.memref_slice %arg4[%add3A_54, %dma_start3A_55] : memref<1638400x128xf32, #tpu.memory_space<hbm>> -> memref<400x128xf32, #tpu.memory_space<hbm>>
      %dma_start3A_57 = arith.constant 0 : i32
      %dma_start3A_58 = tpu.memref_slice %arg4[%add3A_54, %dma_start3A_57] : memref<1638400x128xf32, #tpu.memory_space<hbm>> -> memref<400x128xf32, #tpu.memory_space<hbm>>
      tpu.enqueue_dma source(%arg8 : memref<400x128xf32, #tpu.memory_space<vmem>>) target(%dma_start3A_58 : memref<400x128xf32, #tpu.memory_space<hbm>>) target_semaphore(%arg12 : memref<!tpu.dma_semaphore, #tpu.memory_space<semaphore_mem>>)
      %add3A_59 = arith.constant 2 : i32
      %add3A_60 = arith.addi %add3A_48, %add3A_59 : i32
      %lt3A_61 = arith.constant 128 : i32
      %lt3A_62 = arith.cmpi slt, %add3A_60, %lt3A_61 : i32
      %convert_element_type3A_63 = arith.extui %lt3A_62 : i1 to i32
      %cond3A_64 = arith.constant 0 : i32
      %cond3A_65 = arith.cmpi ne, %convert_element_type3A_63, %cond3A_64 : i32
      scf.if %cond3A_65 {
        %mul3A_66 = arith.constant 400 : i32
        %mul3A_67 = arith.muli %add3A_48, %mul3A_66 : i32
        %add3A_68 = arith.addi %mul3A_2, %mul3A_67 : i32
        %dma_wait3A_69 = arith.constant 0 : i32
        %dma_wait3A_70 = tpu.memref_slice %arg4[%add3A_68, %dma_wait3A_69] : memref<1638400x128xf32, #tpu.memory_space<hbm>> -> memref<400x128xf32, #tpu.memory_space<hbm>>
        %dma_wait3A_71 = arith.constant 0 : i32
        %dma_wait3A_72 = tpu.memref_slice %arg4[%add3A_68, %dma_wait3A_71] : memref<1638400x128xf32, #tpu.memory_space<hbm>> -> memref<400x128xf32, #tpu.memory_space<hbm>>
        tpu.wait_dma2 semaphore(%arg12 : memref<!tpu.dma_semaphore, #tpu.memory_space<semaphore_mem>>) src(%arg8 : memref<400x128xf32, #tpu.memory_space<vmem>>) dst(%dma_wait3A_72 : memref<400x128xf32, #tpu.memory_space<hbm>>)
        %add3A_73 = arith.constant 2 : i32
        %add3A_74 = arith.addi %add3A_48, %add3A_73 : i32
        %mul3A_75 = arith.constant 400 : i32
        %mul3A_76 = arith.muli %add3A_74, %mul3A_75 : i32
        %add3A_77 = arith.addi %mul3A_2, %mul3A_76 : i32
        "tpu.region"() ({
          %run_scoped3A = tpu.sem_alloc : memref<!tpu.dma_semaphore, #tpu.memory_space<semaphore_mem>>
          %dma_start3A_81 = tpu.memref_slice %arg3[%add3A_77] : memref<1638400xi32, #tpu.memory_space<hbm>> -> memref<400xi32, #tpu.memory_space<hbm>>
          %dma_start3A_82 = tpu.memref_slice %arg3[%add3A_77] : memref<1638400xi32, #tpu.memory_space<hbm>> -> memref<400xi32, #tpu.memory_space<hbm>>
          tpu.enqueue_dma source(%dma_start3A_82 : memref<400xi32, #tpu.memory_space<hbm>>) target(%arg6 : memref<400xi32, #tpu.memory_space<vmem>>) target_semaphore(%run_scoped3A : memref<!tpu.dma_semaphore, #tpu.memory_space<semaphore_mem>>)
          %dma_wait3A_83 = tpu.memref_slice %arg3[%add3A_77] : memref<1638400xi32, #tpu.memory_space<hbm>> -> memref<400xi32, #tpu.memory_space<hbm>>
          %dma_wait3A_84 = tpu.memref_slice %arg3[%add3A_77] : memref<1638400xi32, #tpu.memory_space<hbm>> -> memref<400xi32, #tpu.memory_space<hbm>>
          tpu.wait_dma2 semaphore(%run_scoped3A : memref<!tpu.dma_semaphore, #tpu.memory_space<semaphore_mem>>) src(%dma_wait3A_84 : memref<400xi32, #tpu.memory_space<hbm>>) dst(%arg6 : memref<400xi32, #tpu.memory_space<vmem>>)
          tpu.yield
        }) : () -> ()
        %dma_start3A_78 = arith.constant 0 : i32
        %dma_start3A_79 = arith.constant 0 : i32
        %dma_start3A_80 = tpu.memref_slice %arg2[%dma_start3A_78, %dma_start3A_79] : memref<100000x128xf32, #tpu.memory_space<hbm>> -> memref<100000x128xf32, #tpu.memory_space<hbm>>
        tpu.enqueue_indirect_dma source(%dma_start3A_80 : memref<100000x128xf32, #tpu.memory_space<hbm>>) target(%arg8 : memref<400x128xf32, #tpu.memory_space<vmem>>) offsets(%arg6 : memref<400xi32, #tpu.memory_space<vmem>>) semaphore(%arg10 : memref<!tpu.dma_semaphore, #tpu.memory_space<semaphore_mem>>)
      } else {
      }
    }
    %scan3A_16 = arith.constant 64 : i32
    %add3A_17 = arith.constant 50400 : i32
    %add3A_18 = arith.addi %mul3A_2, %add3A_17 : i32
    %dma_wait3A = arith.constant 0 : i32
    %dma_wait3A_19 = tpu.memref_slice %arg4[%add3A_18, %dma_wait3A] : memref<1638400x128xf32, #tpu.memory_space<hbm>> -> memref<400x128xf32, #tpu.memory_space<hbm>>
    %dma_wait3A_20 = arith.constant 0 : i32
    %dma_wait3A_21 = tpu.memref_slice %arg4[%add3A_18, %dma_wait3A_20] : memref<1638400x128xf32, #tpu.memory_space<hbm>> -> memref<400x128xf32, #tpu.memory_space<hbm>>
    tpu.wait_dma2 semaphore(%arg11 : memref<!tpu.dma_semaphore, #tpu.memory_space<semaphore_mem>>) src(%arg7 : memref<400x128xf32, #tpu.memory_space<vmem>>) dst(%dma_wait3A_21 : memref<400x128xf32, #tpu.memory_space<hbm>>)
    %add3A_22 = arith.constant 50800 : i32
    %add3A_23 = arith.addi %mul3A_2, %add3A_22 : i32
    %dma_wait3A_24 = arith.constant 0 : i32
    %dma_wait3A_25 = tpu.memref_slice %arg4[%add3A_23, %dma_wait3A_24] : memref<1638400x128xf32, #tpu.memory_space<hbm>> -> memref<400x128xf32, #tpu.memory_space<hbm>>
    %dma_wait3A_26 = arith.constant 0 : i32
    %dma_wait3A_27 = tpu.memref_slice %arg4[%add3A_23, %dma_wait3A_26] : memref<1638400x128xf32, #tpu.memory_space<hbm>> -> memref<400x128xf32, #tpu.memory_space<hbm>>
    tpu.wait_dma2 semaphore(%arg12 : memref<!tpu.dma_semaphore, #tpu.memory_space<semaphore_mem>>) src(%arg8 : memref<400x128xf32, #tpu.memory_space<vmem>>) dst(%dma_wait3A_27 : memref<400x128xf32, #tpu.memory_space<hbm>>)
    return
  }
}

#map = affine_map<(d0, d1) -> (0, 0)>
#map1 = affine_map<(d0, d1) -> (0)>
module attributes {stable_mosaic.version = 14 : i64} {
  func.func @_gather_kernel(%arg0: i32, %arg1: i32, %arg2: memref<100000x128xf32, #tpu.memory_space<hbm>>, %arg3: memref<1638400xi32, #tpu.memory_space<hbm>>, %arg4: memref<1638400x128xf32, #tpu.memory_space<hbm>>, %arg5: memref<400xi32, #tpu.memory_space<vmem>>, %arg6: memref<400xi32, #tpu.memory_space<vmem>>, %arg7: memref<400x128xf32, #tpu.memory_space<vmem>>, %arg8: memref<400x128xf32, #tpu.memory_space<vmem>>, %arg9: memref<!tpu.dma_semaphore, #tpu.memory_space<semaphore_mem>>, %arg10: memref<!tpu.dma_semaphore, #tpu.memory_space<semaphore_mem>>, %arg11: memref<!tpu.dma_semaphore, #tpu.memory_space<semaphore_mem>>, %arg12: memref<!tpu.dma_semaphore, #tpu.memory_space<semaphore_mem>>) attributes {dimension_semantics = [#tpu.dimension_semantics<core_parallel>, #tpu.dimension_semantics<subcore_parallel>], iteration_bounds = array<i64: 2, 16>, scalar_prefetch = 0 : i64, scratch_operands = 8 : i64, tpu.core_type = #tpu.core_type<sc_vector_subcore>, window_params = [{transform_indices = #map}, {transform_indices = #map1}, {transform_indices = #map}]} {
    %mul3A = arith.constant 2 : i32
    %mul3A_0 = arith.muli %arg1, %mul3A : i32
    %add3A = arith.addi %mul3A_0, %arg0 : i32
    %mul3A_1 = arith.constant 51200 : i32
    %mul3A_2 = arith.muli %add3A, %mul3A_1 : i32
    %add3A_3 = arith.constant 0 : i32
    %add3A_4 = arith.addi %mul3A_2, %add3A_3 : i32
    "tpu.region"() ({
      %run_scoped3A = tpu.sem_alloc : memref<!tpu.dma_semaphore, #tpu.memory_space<semaphore_mem>>
      %dma_start3A_28 = tpu.memref_slice %arg3[%add3A_4] : memref<1638400xi32, #tpu.memory_space<hbm>> -> memref<400xi32, #tpu.memory_space<hbm>>
      %dma_start3A_29 = tpu.memref_slice %arg3[%add3A_4] : memref<1638400xi32, #tpu.memory_space<hbm>> -> memref<400xi32, #tpu.memory_space<hbm>>
      tpu.enqueue_dma source(%dma_start3A_29 : memref<400xi32, #tpu.memory_space<hbm>>) target(%arg5 : memref<400xi32, #tpu.memory_space<vmem>>) target_semaphore(%run_scoped3A : memref<!tpu.dma_semaphore, #tpu.memory_space<semaphore_mem>>)
      %dma_wait3A_30 = tpu.memref_slice %arg3[%add3A_4] : memref<1638400xi32, #tpu.memory_space<hbm>> -> memref<400xi32, #tpu.memory_space<hbm>>
      %dma_wait3A_31 = tpu.memref_slice %arg3[%add3A_4] : memref<1638400xi32, #tpu.memory_space<hbm>> -> memref<400xi32, #tpu.memory_space<hbm>>
      tpu.wait_dma2 semaphore(%run_scoped3A : memref<!tpu.dma_semaphore, #tpu.memory_space<semaphore_mem>>) src(%dma_wait3A_31 : memref<400xi32, #tpu.memory_space<hbm>>) dst(%arg5 : memref<400xi32, #tpu.memory_space<vmem>>)
      tpu.yield
    }) : () -> ()
    %dma_start3A = arith.constant 0 : i32
    %dma_start3A_5 = arith.constant 0 : i32
    %dma_start3A_6 = tpu.memref_slice %arg2[%dma_start3A, %dma_start3A_5] : memref<100000x128xf32, #tpu.memory_space<hbm>> -> memref<100000x128xf32, #tpu.memory_space<hbm>>
    tpu.enqueue_indirect_dma source(%dma_start3A_6 : memref<100000x128xf32, #tpu.memory_space<hbm>>) target(%arg7 : memref<400x128xf32, #tpu.memory_space<vmem>>) offsets(%arg5 : memref<400xi32, #tpu.memory_space<vmem>>) semaphore(%arg9 : memref<!tpu.dma_semaphore, #tpu.memory_space<semaphore_mem>>)
    %add3A_7 = arith.constant 400 : i32
    %add3A_8 = arith.addi %mul3A_2, %add3A_7 : i32
    "tpu.region"() ({
      %run_scoped3A = tpu.sem_alloc : memref<!tpu.dma_semaphore, #tpu.memory_space<semaphore_mem>>
      %dma_start3A_28 = tpu.memref_slice %arg3[%add3A_8] : memref<1638400xi32, #tpu.memory_space<hbm>> -> memref<400xi32, #tpu.memory_space<hbm>>
      %dma_start3A_29 = tpu.memref_slice %arg3[%add3A_8] : memref<1638400xi32, #tpu.memory_space<hbm>> -> memref<400xi32, #tpu.memory_space<hbm>>
      tpu.enqueue_dma source(%dma_start3A_29 : memref<400xi32, #tpu.memory_space<hbm>>) target(%arg6 : memref<400xi32, #tpu.memory_space<vmem>>) target_semaphore(%run_scoped3A : memref<!tpu.dma_semaphore, #tpu.memory_space<semaphore_mem>>)
      %dma_wait3A_30 = tpu.memref_slice %arg3[%add3A_8] : memref<1638400xi32, #tpu.memory_space<hbm>> -> memref<400xi32, #tpu.memory_space<hbm>>
      %dma_wait3A_31 = tpu.memref_slice %arg3[%add3A_8] : memref<1638400xi32, #tpu.memory_space<hbm>> -> memref<400xi32, #tpu.memory_space<hbm>>
      tpu.wait_dma2 semaphore(%run_scoped3A : memref<!tpu.dma_semaphore, #tpu.memory_space<semaphore_mem>>) src(%dma_wait3A_31 : memref<400xi32, #tpu.memory_space<hbm>>) dst(%arg6 : memref<400xi32, #tpu.memory_space<vmem>>)
      tpu.yield
    }) : () -> ()
    %dma_start3A_9 = arith.constant 0 : i32
    %dma_start3A_10 = arith.constant 0 : i32
    %dma_start3A_11 = tpu.memref_slice %arg2[%dma_start3A_9, %dma_start3A_10] : memref<100000x128xf32, #tpu.memory_space<hbm>> -> memref<100000x128xf32, #tpu.memory_space<hbm>>
    tpu.enqueue_indirect_dma source(%dma_start3A_11 : memref<100000x128xf32, #tpu.memory_space<hbm>>) target(%arg8 : memref<400x128xf32, #tpu.memory_space<vmem>>) offsets(%arg6 : memref<400xi32, #tpu.memory_space<vmem>>) semaphore(%arg10 : memref<!tpu.dma_semaphore, #tpu.memory_space<semaphore_mem>>)
    %scan3A = arith.constant 0 : i32
    %scan3A_12 = arith.constant 0 : i32
    %scan3A_13 = arith.constant 64 : i32
    %scan3A_14 = arith.addi %scan3A_12, %scan3A_13 : i32
    %scan3A_15 = arith.constant 1 : i32
    scf.for %scan3A_28 = %scan3A_12 to %scan3A_14 step %scan3A_15  : i32 {
      %mul3A_29 = arith.constant 2 : i32
      %mul3A_30 = arith.muli %mul3A_29, %scan3A_28 : i32
      %dma_wait3A_31 = arith.constant 0 : i32
      %dma_wait3A_32 = arith.constant 0 : i32
      %dma_wait3A_33 = tpu.memref_slice %arg2[%dma_wait3A_31, %dma_wait3A_32] : memref<100000x128xf32, #tpu.memory_space<hbm>> -> memref<100000x128xf32, #tpu.memory_space<hbm>>
      tpu.wait_indirect_dma semaphore(%arg9 : memref<!tpu.dma_semaphore, #tpu.memory_space<semaphore_mem>>) src(%dma_wait3A_33 : memref<100000x128xf32, #tpu.memory_space<hbm>>) dst(%arg7 : memref<400x128xf32, #tpu.memory_space<vmem>>)
      %mul3A_34 = arith.constant 400 : i32
      %mul3A_35 = arith.muli %mul3A_30, %mul3A_34 : i32
      %add3A_36 = arith.addi %mul3A_2, %mul3A_35 : i32
      %dma_start3A_37 = arith.constant 0 : i32
      %dma_start3A_38 = tpu.memref_slice %arg4[%add3A_36, %dma_start3A_37] : memref<1638400x128xf32, #tpu.memory_space<hbm>> -> memref<400x128xf32, #tpu.memory_space<hbm>>
      %dma_start3A_39 = arith.constant 0 : i32
      %dma_start3A_40 = tpu.memref_slice %arg4[%add3A_36, %dma_start3A_39] : memref<1638400x128xf32, #tpu.memory_space<hbm>> -> memref<400x128xf32, #tpu.memory_space<hbm>>
      tpu.enqueue_dma source(%arg7 : memref<400x128xf32, #tpu.memory_space<vmem>>) target(%dma_start3A_40 : memref<400x128xf32, #tpu.memory_space<hbm>>) target_semaphore(%arg11 : memref<!tpu.dma_semaphore, #tpu.memory_space<semaphore_mem>>)
      %add3A_41 = arith.constant 2 : i32
      %add3A_42 = arith.addi %mul3A_30, %add3A_41 : i32
      %lt3A = arith.constant 128 : i32
      %lt3A_43 = arith.cmpi slt, %add3A_42, %lt3A : i32
      %convert_element_type3A = arith.extui %lt3A_43 : i1 to i32
      %cond3A = arith.constant 0 : i32
      %cond3A_44 = arith.cmpi ne, %convert_element_type3A, %cond3A : i32
      scf.if %cond3A_44 {
        %mul3A_66 = arith.constant 400 : i32
        %mul3A_67 = arith.muli %mul3A_30, %mul3A_66 : i32
        %add3A_68 = arith.addi %mul3A_2, %mul3A_67 : i32
        %dma_wait3A_69 = arith.constant 0 : i32
        %dma_wait3A_70 = tpu.memref_slice %arg4[%add3A_68, %dma_wait3A_69] : memref<1638400x128xf32, #tpu.memory_space<hbm>> -> memref<400x128xf32, #tpu.memory_space<hbm>>
        %dma_wait3A_71 = arith.constant 0 : i32
        %dma_wait3A_72 = tpu.memref_slice %arg4[%add3A_68, %dma_wait3A_71] : memref<1638400x128xf32, #tpu.memory_space<hbm>> -> memref<400x128xf32, #tpu.memory_space<hbm>>
        tpu.wait_dma2 semaphore(%arg11 : memref<!tpu.dma_semaphore, #tpu.memory_space<semaphore_mem>>) src(%arg7 : memref<400x128xf32, #tpu.memory_space<vmem>>) dst(%dma_wait3A_72 : memref<400x128xf32, #tpu.memory_space<hbm>>)
        %add3A_73 = arith.constant 2 : i32
        %add3A_74 = arith.addi %mul3A_30, %add3A_73 : i32
        %mul3A_75 = arith.constant 400 : i32
        %mul3A_76 = arith.muli %add3A_74, %mul3A_75 : i32
        %add3A_77 = arith.addi %mul3A_2, %mul3A_76 : i32
        "tpu.region"() ({
          %run_scoped3A = tpu.sem_alloc : memref<!tpu.dma_semaphore, #tpu.memory_space<semaphore_mem>>
          %dma_start3A_81 = tpu.memref_slice %arg3[%add3A_77] : memref<1638400xi32, #tpu.memory_space<hbm>> -> memref<400xi32, #tpu.memory_space<hbm>>
          %dma_start3A_82 = tpu.memref_slice %arg3[%add3A_77] : memref<1638400xi32, #tpu.memory_space<hbm>> -> memref<400xi32, #tpu.memory_space<hbm>>
          tpu.enqueue_dma source(%dma_start3A_82 : memref<400xi32, #tpu.memory_space<hbm>>) target(%arg5 : memref<400xi32, #tpu.memory_space<vmem>>) target_semaphore(%run_scoped3A : memref<!tpu.dma_semaphore, #tpu.memory_space<semaphore_mem>>)
          %dma_wait3A_83 = tpu.memref_slice %arg3[%add3A_77] : memref<1638400xi32, #tpu.memory_space<hbm>> -> memref<400xi32, #tpu.memory_space<hbm>>
          %dma_wait3A_84 = tpu.memref_slice %arg3[%add3A_77] : memref<1638400xi32, #tpu.memory_space<hbm>> -> memref<400xi32, #tpu.memory_space<hbm>>
          tpu.wait_dma2 semaphore(%run_scoped3A : memref<!tpu.dma_semaphore, #tpu.memory_space<semaphore_mem>>) src(%dma_wait3A_84 : memref<400xi32, #tpu.memory_space<hbm>>) dst(%arg5 : memref<400xi32, #tpu.memory_space<vmem>>)
          tpu.yield
        }) : () -> ()
        %dma_start3A_78 = arith.constant 0 : i32
        %dma_start3A_79 = arith.constant 0 : i32
        %dma_start3A_80 = tpu.memref_slice %arg2[%dma_start3A_78, %dma_start3A_79] : memref<100000x128xf32, #tpu.memory_space<hbm>> -> memref<100000x128xf32, #tpu.memory_space<hbm>>
        tpu.enqueue_indirect_dma source(%dma_start3A_80 : memref<100000x128xf32, #tpu.memory_space<hbm>>) target(%arg7 : memref<400x128xf32, #tpu.memory_space<vmem>>) offsets(%arg5 : memref<400xi32, #tpu.memory_space<vmem>>) semaphore(%arg9 : memref<!tpu.dma_semaphore, #tpu.memory_space<semaphore_mem>>)
      } else {
      }
      %mul3A_45 = arith.constant 2 : i32
      %mul3A_46 = arith.muli %mul3A_45, %scan3A_28 : i32
      %add3A_47 = arith.constant 1 : i32
      %add3A_48 = arith.addi %mul3A_46, %add3A_47 : i32
      %dma_wait3A_49 = arith.constant 0 : i32
      %dma_wait3A_50 = arith.constant 0 : i32
      %dma_wait3A_51 = tpu.memref_slice %arg2[%dma_wait3A_49, %dma_wait3A_50] : memref<100000x128xf32, #tpu.memory_space<hbm>> -> memref<100000x128xf32, #tpu.memory_space<hbm>>
      tpu.wait_indirect_dma semaphore(%arg10 : memref<!tpu.dma_semaphore, #tpu.memory_space<semaphore_mem>>) src(%dma_wait3A_51 : memref<100000x128xf32, #tpu.memory_space<hbm>>) dst(%arg8 : memref<400x128xf32, #tpu.memory_space<vmem>>)
      %mul3A_52 = arith.constant 400 : i32
      %mul3A_53 = arith.muli %add3A_48, %mul3A_52 : i32
      %add3A_54 = arith.addi %mul3A_2, %mul3A_53 : i32
      %dma_start3A_55 = arith.constant 0 : i32
      %dma_start3A_56 = tpu.memref_slice %arg4[%add3A_54, %dma_start3A_55] : memref<1638400x128xf32, #tpu.memory_space<hbm>> -> memref<400x128xf32, #tpu.memory_space<hbm>>
      %dma_start3A_57 = arith.constant 0 : i32
      %dma_start3A_58 = tpu.memref_slice %arg4[%add3A_54, %dma_start3A_57] : memref<1638400x128xf32, #tpu.memory_space<hbm>> -> memref<400x128xf32, #tpu.memory_space<hbm>>
      tpu.enqueue_dma source(%arg8 : memref<400x128xf32, #tpu.memory_space<vmem>>) target(%dma_start3A_58 : memref<400x128xf32, #tpu.memory_space<hbm>>) target_semaphore(%arg12 : memref<!tpu.dma_semaphore, #tpu.memory_space<semaphore_mem>>)
      %add3A_59 = arith.constant 2 : i32
      %add3A_60 = arith.addi %add3A_48, %add3A_59 : i32
      %lt3A_61 = arith.constant 128 : i32
      %lt3A_62 = arith.cmpi slt, %add3A_60, %lt3A_61 : i32
      %convert_element_type3A_63 = arith.extui %lt3A_62 : i1 to i32
      %cond3A_64 = arith.constant 0 : i32
      %cond3A_65 = arith.cmpi ne, %convert_element_type3A_63, %cond3A_64 : i32
      scf.if %cond3A_65 {
        %mul3A_66 = arith.constant 400 : i32
        %mul3A_67 = arith.muli %add3A_48, %mul3A_66 : i32
        %add3A_68 = arith.addi %mul3A_2, %mul3A_67 : i32
        %dma_wait3A_69 = arith.constant 0 : i32
        %dma_wait3A_70 = tpu.memref_slice %arg4[%add3A_68, %dma_wait3A_69] : memref<1638400x128xf32, #tpu.memory_space<hbm>> -> memref<400x128xf32, #tpu.memory_space<hbm>>
        %dma_wait3A_71 = arith.constant 0 : i32
        %dma_wait3A_72 = tpu.memref_slice %arg4[%add3A_68, %dma_wait3A_71] : memref<1638400x128xf32, #tpu.memory_space<hbm>> -> memref<400x128xf32, #tpu.memory_space<hbm>>
        tpu.wait_dma2 semaphore(%arg12 : memref<!tpu.dma_semaphore, #tpu.memory_space<semaphore_mem>>) src(%arg8 : memref<400x128xf32, #tpu.memory_space<vmem>>) dst(%dma_wait3A_72 : memref<400x128xf32, #tpu.memory_space<hbm>>)
        %add3A_73 = arith.constant 2 : i32
        %add3A_74 = arith.addi %add3A_48, %add3A_73 : i32
        %mul3A_75 = arith.constant 400 : i32
        %mul3A_76 = arith.muli %add3A_74, %mul3A_75 : i32
        %add3A_77 = arith.addi %mul3A_2, %mul3A_76 : i32
        "tpu.region"() ({
          %run_scoped3A = tpu.sem_alloc : memref<!tpu.dma_semaphore, #tpu.memory_space<semaphore_mem>>
          %dma_start3A_81 = tpu.memref_slice %arg3[%add3A_77] : memref<1638400xi32, #tpu.memory_space<hbm>> -> memref<400xi32, #tpu.memory_space<hbm>>
          %dma_start3A_82 = tpu.memref_slice %arg3[%add3A_77] : memref<1638400xi32, #tpu.memory_space<hbm>> -> memref<400xi32, #tpu.memory_space<hbm>>
          tpu.enqueue_dma source(%dma_start3A_82 : memref<400xi32, #tpu.memory_space<hbm>>) target(%arg6 : memref<400xi32, #tpu.memory_space<vmem>>) target_semaphore(%run_scoped3A : memref<!tpu.dma_semaphore, #tpu.memory_space<semaphore_mem>>)
          %dma_wait3A_83 = tpu.memref_slice %arg3[%add3A_77] : memref<1638400xi32, #tpu.memory_space<hbm>> -> memref<400xi32, #tpu.memory_space<hbm>>
          %dma_wait3A_84 = tpu.memref_slice %arg3[%add3A_77] : memref<1638400xi32, #tpu.memory_space<hbm>> -> memref<400xi32, #tpu.memory_space<hbm>>
          tpu.wait_dma2 semaphore(%run_scoped3A : memref<!tpu.dma_semaphore, #tpu.memory_space<semaphore_mem>>) src(%dma_wait3A_84 : memref<400xi32, #tpu.memory_space<hbm>>) dst(%arg6 : memref<400xi32, #tpu.memory_space<vmem>>)
          tpu.yield
        }) : () -> ()
        %dma_start3A_78 = arith.constant 0 : i32
        %dma_start3A_79 = arith.constant 0 : i32
        %dma_start3A_80 = tpu.memref_slice %arg2[%dma_start3A_78, %dma_start3A_79] : memref<100000x128xf32, #tpu.memory_space<hbm>> -> memref<100000x128xf32, #tpu.memory_space<hbm>>
        tpu.enqueue_indirect_dma source(%dma_start3A_80 : memref<100000x128xf32, #tpu.memory_space<hbm>>) target(%arg8 : memref<400x128xf32, #tpu.memory_space<vmem>>) offsets(%arg6 : memref<400xi32, #tpu.memory_space<vmem>>) semaphore(%arg10 : memref<!tpu.dma_semaphore, #tpu.memory_space<semaphore_mem>>)
      } else {
      }
    }
    %scan3A_16 = arith.constant 64 : i32
    %add3A_17 = arith.constant 50400 : i32
    %add3A_18 = arith.addi %mul3A_2, %add3A_17 : i32
    %dma_wait3A = arith.constant 0 : i32
    %dma_wait3A_19 = tpu.memref_slice %arg4[%add3A_18, %dma_wait3A] : memref<1638400x128xf32, #tpu.memory_space<hbm>> -> memref<400x128xf32, #tpu.memory_space<hbm>>
    %dma_wait3A_20 = arith.constant 0 : i32
    %dma_wait3A_21 = tpu.memref_slice %arg4[%add3A_18, %dma_wait3A_20] : memref<1638400x128xf32, #tpu.memory_space<hbm>> -> memref<400x128xf32, #tpu.memory_space<hbm>>
    tpu.wait_dma2 semaphore(%arg11 : memref<!tpu.dma_semaphore, #tpu.memory_space<semaphore_mem>>) src(%arg7 : memref<400x128xf32, #tpu.memory_space<vmem>>) dst(%dma_wait3A_21 : memref<400x128xf32, #tpu.memory_space<hbm>>)
    %add3A_22 = arith.constant 50800 : i32
    %add3A_23 = arith.addi %mul3A_2, %add3A_22 : i32
    %dma_wait3A_24 = arith.constant 0 : i32
    %dma_wait3A_25 = tpu.memref_slice %arg4[%add3A_23, %dma_wait3A_24] : memref<1638400x128xf32, #tpu.memory_space<hbm>> -> memref<400x128xf32, #tpu.memory_space<hbm>>
    %dma_wait3A_26 = arith.constant 0 : i32
    %dma_wait3A_27 = tpu.memref_slice %arg4[%add3A_23, %dma_wait3A_26] : memref<1638400x128xf32, #tpu.memory_space<hbm>> -> memref<400x128xf32, #tpu.memory_space<hbm>>
    tpu.wait_dma2 semaphore(%arg12 : memref<!tpu.dma_semaphore, #tpu.memory_space<semaphore_mem>>) src(%arg8 : memref<400x128xf32, #tpu.memory_space<vmem>>) dst(%dma_wait3A_27 : memref<400x128xf32, #tpu.memory_space<hbm>>)
    return
  }
}

module attributes {stable_mosaic.version = 14 : i64} {
  func.func @_transform_body(%arg0: i32, %arg1: memref<4000x16xf32, #tpu.memory_space<vmem>>, %arg2: memref<16x128xf32, #tpu.memory_space<vmem>>, %arg3: memref<1x128xf32, #tpu.memory_space<vmem>>, %arg4: memref<1x128xf32, #tpu.memory_space<vmem>>, %arg5: memref<1x128xf32, #tpu.memory_space<vmem>>, %arg6: memref<4000x128xf32, #tpu.memory_space<vmem>>) attributes {dimension_semantics = [#tpu.dimension_semantics<arbitrary>], iteration_bounds = array<i64: 25>, scalar_prefetch = 0 : i64, scratch_operands = 0 : i64, tpu.core_type = #tpu.core_type<tc>, window_params = [{transform_indices = @transform_0, window_bounds = array<i64: 4000, 16>}, {pipeline_mode = #tpu.pipeline_mode<synchronous>, transform_indices = @transform_1, window_bounds = array<i64: 16, 128>}, {pipeline_mode = #tpu.pipeline_mode<synchronous>, transform_indices = @transform_2, window_bounds = array<i64: 1, 128>}, {pipeline_mode = #tpu.pipeline_mode<synchronous>, transform_indices = @transform_3, window_bounds = array<i64: 1, 128>}, {pipeline_mode = #tpu.pipeline_mode<synchronous>, transform_indices = @transform_4, window_bounds = array<i64: 1, 128>}, {transform_indices = @transform_5, window_bounds = array<i64: 4000, 128>}]} {
    %get3A = arith.constant 0 : index
    %get3A_0 = arith.constant 0 : index
    %get3A_1 = vector.load %arg1[%get3A, %get3A_0] : memref<4000x16xf32, #tpu.memory_space<vmem>>, vector<4000x16xf32>
    %get3A_2 = arith.constant 0 : index
    %get3A_3 = arith.constant 0 : index
    %get3A_4 = vector.load %arg2[%get3A_2, %get3A_3] : memref<16x128xf32, #tpu.memory_space<vmem>>, vector<16x128xf32>
    %dot_general3A = arith.constant dense<0.000000e+00> : vector<4000x128xf32>
    %dot_general3A_5 = tpu.matmul %get3A_1, %get3A_4, %dot_general3A {dimension_numbers = #tpu.dot_dimension_numbers<[1], [0], [0], [1], [0, 0, 1, 1], [], []>, transpose_lhs_hint = false} : vector<4000x16xf32>, vector<16x128xf32>, vector<4000x128xf32> -> vector<4000x128xf32>
    %get3A_6 = arith.constant 0 : index
    %get3A_7 = arith.constant 0 : index
    %get3A_8 = vector.load %arg3[%get3A_6, %get3A_7] : memref<1x128xf32, #tpu.memory_space<vmem>>, vector<1x128xf32>
    %add3A = vector.broadcast %get3A_8 : vector<1x128xf32> to vector<4000x128xf32>
    %add3A_9 = arith.addf %dot_general3A_5, %add3A : vector<4000x128xf32>
    %reduce_sum3A = arith.constant dense<0.000000e+00> : vector<4000xf32>
    %reduce_sum3A_10 = vector.multi_reduction <add>, %add3A_9, %reduce_sum3A [1] : vector<4000x128xf32> to vector<4000xf32>
    %broadcast_in_dim3A = vector.shape_cast %reduce_sum3A_10 : vector<4000xf32> to vector<4000x1xf32>
    %mul3A = arith.constant 0.010416667 : f32
    %mul3A_11 = vector.broadcast %mul3A : f32 to vector<4000x1xf32>
    %mul3A_12 = arith.mulf %broadcast_in_dim3A, %mul3A_11 : vector<4000x1xf32>
    %iota3A = tpu.iota {dimensions = array<i32: 1>} : vector<4000x128xi32>
    %lt3A = arith.constant 96 : i32
    %lt3A_13 = vector.broadcast %lt3A : i32 to vector<4000x128xi32>
    %lt3A_14 = arith.cmpi slt, %iota3A, %lt3A_13 : vector<4000x128xi32>
    %sub3A = vector.broadcast %mul3A_12 : vector<4000x1xf32> to vector<4000x128xf32>
    %sub3A_15 = arith.subf %add3A_9, %sub3A : vector<4000x128xf32>
    %jit3A = arith.constant 0.000000e+00 : f32
    %broadcast_in_dim3A_16 = vector.broadcast %jit3A : f32 to vector<4000x128xf32>
    %select_n3A = arith.select %lt3A_14, %sub3A_15, %broadcast_in_dim3A_16 : vector<4000x128xi1>, vector<4000x128xf32>
    %mul3A_17 = arith.mulf %select_n3A, %select_n3A : vector<4000x128xf32>
    %reduce_sum3A_18 = arith.constant dense<0.000000e+00> : vector<4000xf32>
    %reduce_sum3A_19 = vector.multi_reduction <add>, %mul3A_17, %reduce_sum3A_18 [1] : vector<4000x128xf32> to vector<4000xf32>
    %broadcast_in_dim3A_20 = vector.shape_cast %reduce_sum3A_19 : vector<4000xf32> to vector<4000x1xf32>
    %mul3A_21 = arith.constant 0.010416667 : f32
    %mul3A_22 = vector.broadcast %mul3A_21 : f32 to vector<4000x1xf32>
    %mul3A_23 = arith.mulf %broadcast_in_dim3A_20, %mul3A_22 : vector<4000x1xf32>
    %add3A_24 = arith.constant 9.99999974E-6 : f32
    %add3A_25 = vector.broadcast %add3A_24 : f32 to vector<4000x1xf32>
    %add3A_26 = arith.addf %mul3A_23, %add3A_25 : vector<4000x1xf32>
    %rsqrt3A = math.rsqrt %add3A_26 : vector<4000x1xf32>
    %mul3A_27 = vector.broadcast %rsqrt3A : vector<4000x1xf32> to vector<4000x128xf32>
    %mul3A_28 = arith.mulf %select_n3A, %mul3A_27 : vector<4000x128xf32>
    %get3A_29 = arith.constant 0 : index
    %get3A_30 = arith.constant 0 : index
    %get3A_31 = vector.load %arg4[%get3A_29, %get3A_30] : memref<1x128xf32, #tpu.memory_space<vmem>>, vector<1x128xf32>
    %mul3A_32 = vector.broadcast %get3A_31 : vector<1x128xf32> to vector<4000x128xf32>
    %mul3A_33 = arith.mulf %mul3A_28, %mul3A_32 : vector<4000x128xf32>
    %get3A_34 = arith.constant 0 : index
    %get3A_35 = arith.constant 0 : index
    %get3A_36 = vector.load %arg5[%get3A_34, %get3A_35] : memref<1x128xf32, #tpu.memory_space<vmem>>, vector<1x128xf32>
    %add3A_37 = vector.broadcast %get3A_36 : vector<1x128xf32> to vector<4000x128xf32>
    %add3A_38 = arith.addf %mul3A_33, %add3A_37 : vector<4000x128xf32>
    %mul3A_39 = arith.constant 5.000000e-01 : f32
    %mul3A_40 = vector.broadcast %mul3A_39 : f32 to vector<4000x128xf32>
    %mul3A_41 = arith.mulf %add3A_38, %mul3A_40 : vector<4000x128xf32>
    %mul3A_42 = arith.constant 0.707106769 : f32
    %mul3A_43 = vector.broadcast %mul3A_42 : f32 to vector<4000x128xf32>
    %mul3A_44 = arith.mulf %add3A_38, %mul3A_43 : vector<4000x128xf32>
    %erf3A = math.erf %mul3A_44 : vector<4000x128xf32>
    %add3A_45 = arith.constant 1.000000e+00 : f32
    %add3A_46 = vector.broadcast %add3A_45 : f32 to vector<4000x128xf32>
    %add3A_47 = arith.addf %add3A_46, %erf3A : vector<4000x128xf32>
    %mul3A_48 = arith.mulf %mul3A_41, %add3A_47 : vector<4000x128xf32>
    %swap3A = arith.constant 0 : index
    %swap3A_49 = arith.constant 0 : index
    %swap3A_50 = vector.load %arg6[%swap3A, %swap3A_49] : memref<4000x128xf32, #tpu.memory_space<vmem>>, vector<4000x128xf32>
    tpu.vector_store %arg6[%swap3A, %swap3A_49], %mul3A_48 {strides = array<i32>} : memref<4000x128xf32, #tpu.memory_space<vmem>>, vector<4000x128xf32>,
    return
  }
  func.func @transform_0(%arg0: i32) -> (i32, i32) {
    %c0_i32 = arith.constant 0 : i32
    %c0_i32_0 = arith.constant 0 : i32
    return %arg0, %c0_i32 : i32, i32
  }
  func.func @transform_1(%arg0: i32) -> (i32, i32) {
    %c0_i32 = arith.constant 0 : i32
    %c0_i32_0 = arith.constant 0 : i32
    %c0_i32_1 = arith.constant 0 : i32
    return %c0_i32, %c0_i32_0 : i32, i32
  }
  func.func @transform_2(%arg0: i32) -> (i32, i32) {
    %c0_i32 = arith.constant 0 : i32
    %c0_i32_0 = arith.constant 0 : i32
    %c0_i32_1 = arith.constant 0 : i32
    return %c0_i32, %c0_i32_0 : i32, i32
  }
  func.func @transform_3(%arg0: i32) -> (i32, i32) {
    %c0_i32 = arith.constant 0 : i32
    %c0_i32_0 = arith.constant 0 : i32
    %c0_i32_1 = arith.constant 0 : i32
    return %c0_i32, %c0_i32_0 : i32, i32
  }
  func.func @transform_4(%arg0: i32) -> (i32, i32) {
    %c0_i32 = arith.constant 0 : i32
    %c0_i32_0 = arith.constant 0 : i32
    %c0_i32_1 = arith.constant 0 : i32
    return %c0_i32, %c0_i32_0 : i32, i32
  }
  func.func @transform_5(%arg0: i32) -> (i32, i32) {
    %c0_i32 = arith.constant 0 : i32
    %c0_i32_0 = arith.constant 0 : i32
    return %arg0, %c0_i32 : i32, i32
  }
}

module attributes {stable_mosaic.version = 14 : i64} {
  func.func @_merge_body(%arg0: i32, %arg1: memref<3200x128xf32, #tpu.memory_space<vmem>>, %arg2: memref<3200x128xf32, #tpu.memory_space<vmem>>, %arg3: memref<16x200x96xf32, #tpu.memory_space<vmem>>) attributes {dimension_semantics = [#tpu.dimension_semantics<arbitrary>], iteration_bounds = array<i64: 1024>, scalar_prefetch = 0 : i64, scratch_operands = 0 : i64, tpu.core_type = #tpu.core_type<tc>, window_params = [{transform_indices = @transform_0, window_bounds = array<i64: 3200, 128>}, {transform_indices = @transform_1, window_bounds = array<i64: 3200, 128>}, {transform_indices = @transform_2, window_bounds = array<i64: 16, 200, 96>}]} {
    %lt3A = arith.constant 512 : i32
    %lt3A_0 = arith.cmpi slt, %arg0, %lt3A : i32
    %convert_element_type3A = arith.extui %lt3A_0 : i1 to i32
    %cond3A = arith.constant 0 : i32
    %cond3A_1 = arith.cmpi ne, %convert_element_type3A, %cond3A : i32
    scf.if %cond3A_1 {
      %get3A = arith.constant 0 : index
      %get3A_6 = arith.constant 0 : index
      %get3A_7 = vector.load %arg1[%get3A, %get3A_6] : memref<3200x128xf32, #tpu.memory_space<vmem>>, vector<3200x96xf32>
      %reshape3A = vector.shape_cast %get3A_7 : vector<3200x96xf32> to vector<16x200x96xf32>
      %swap3A = arith.constant 0 : index
      %swap3A_8 = arith.constant 0 : index
      %swap3A_9 = arith.constant 0 : index
      %swap3A_10 = vector.load %arg3[%swap3A, %swap3A_8, %swap3A_9] : memref<16x200x96xf32, #tpu.memory_space<vmem>>, vector<16x200x96xf32>
      tpu.vector_store %arg3[%swap3A, %swap3A_8, %swap3A_9], %reshape3A {strides = array<i32>} : memref<16x200x96xf32, #tpu.memory_space<vmem>>, vector<16x200x96xf32>,
    } else {
    }
    %ge3A = arith.constant 512 : i32
    %ge3A_2 = arith.cmpi sge, %arg0, %ge3A : i32
    %convert_element_type3A_3 = arith.extui %ge3A_2 : i1 to i32
    %cond3A_4 = arith.constant 0 : i32
    %cond3A_5 = arith.cmpi ne, %convert_element_type3A_3, %cond3A_4 : i32
    scf.if %cond3A_5 {
      %get3A = arith.constant 0 : index
      %get3A_6 = arith.constant 0 : index
      %get3A_7 = vector.load %arg2[%get3A, %get3A_6] : memref<3200x128xf32, #tpu.memory_space<vmem>>, vector<3200x96xf32>
      %reshape3A = vector.shape_cast %get3A_7 : vector<3200x96xf32> to vector<16x200x96xf32>
      %swap3A = arith.constant 0 : index
      %swap3A_8 = arith.constant 0 : index
      %swap3A_9 = arith.constant 0 : index
      %swap3A_10 = vector.load %arg3[%swap3A, %swap3A_8, %swap3A_9] : memref<16x200x96xf32, #tpu.memory_space<vmem>>, vector<16x200x96xf32>
      tpu.vector_store %arg3[%swap3A, %swap3A_8, %swap3A_9], %reshape3A {strides = array<i32>} : memref<16x200x96xf32, #tpu.memory_space<vmem>>, vector<16x200x96xf32>,
    } else {
    }
    return
  }
  func.func @transform_0(%arg0: i32) -> (i32, i32) {
    %min3A = arith.constant 511 : i32
    %min3A_0 = arith.minsi %arg0, %min3A : i32
    %c0_i32 = arith.constant 0 : i32
    %c0_i32_1 = arith.constant 0 : i32
    return %min3A_0, %c0_i32 : i32, i32
  }
  func.func @transform_1(%arg0: i32) -> (i32, i32) {
    %sub3A = arith.constant 512 : i32
    %sub3A_0 = arith.subi %arg0, %sub3A : i32
    %max3A = arith.constant 0 : i32
    %max3A_1 = arith.maxsi %sub3A_0, %max3A : i32
    %c0_i32 = arith.constant 0 : i32
    %c0_i32_2 = arith.constant 0 : i32
    return %max3A_1, %c0_i32 : i32, i32
  }
  func.func @transform_2(%arg0: i32) -> (i32, i32, i32) {
    %c0_i32 = arith.constant 0 : i32
    %c0_i32_0 = arith.constant 0 : i32
    %c0_i32_1 = arith.constant 0 : i32
    return %arg0, %c0_i32, %c0_i32_0 : i32, i32, i32
  }
}

</mosaic_0001>

<sc_bundles>
// kernel: kernel.6.cloned.1.call-start
scs
__scs_entry_jumppad:
0x0: {  	(pc) =	sbr.rel $0x88, $3  }
0x1: {  	(tag) =	ssettag $0x0;
	lr =	simm.s32 $0x1  }
0x2: {  	[smem:$0x3F9B] =	sst lr;
	_ =	strace $0xD0000000  }
0x3: {  	_ = 	snop  }
0x4: {  	_ = 	snop  }
0x5: {  	_ = 	snop  }
0x6: {  	_ = 	snop  }
0x7: {  	_ = 	snop  }
__scs_overlays_trampoline_lowered:
0x8: {  	[smem:$0x3FAA] =	sst s0  }
0x9: {  	[smem:$0x3FAB] =	sst s1  }
0xa: {  	[smem:$0x3FAC] =	sst s2  }
0xb: {  	[smem:$0x3FAD] =	sst s3  }
0xc: {  	[smem:$0x3FAE] =	sst s4  }
0xd: {  	[smem:$0x3FAF] =	sst s5  }
0xe: {  	[smem:$0x3FB0] =	sst s6  }
0xf: {  	[smem:$0x3FB1] =	sst s7  }
0x10: {  	[smem:$0x3FB2] =	sst s8  }
0x11: {  	[smem:$0x3FB3] =	sst s9;
	s0 =	simm.s32 @!p0 $0x0  }
0x12: {  	s1 =	sld [smem:$0x3F99];
	s0 =	simm.s32 @p0 $0x1  }
0x13: {  	[smem:$0x3FB4] =	sst s0;
	s0 =	simm.s32 @!p1 $0x0  }
0x14: {  	s2 =	sld [smem:$0x3F98];
	s0 =	simm.s32 @p1 $0x1  }
0x15: {  	[smem:$0x3FB5] =	sst s0;
	s0 =	simm.s32 @!p2 $0x0  }
0x16: {  	s3 =	sld [smem:$0x3FDB];
	s0 =	simm.s32 @p2 $0x1  }
0x17: {  	s4 =	simm.s32 $0x1BF5;
	[smem:$0x3FB7] =	sst s0  }
0x18: {  	s0 =	sld [smem:$0x3F9A];
	_ =	swait.ge [sflag:s4], $0x0  }
0x19: {  	s7 =	sld [smem:$0x3F9B]  }
0x1a: {  	s8 =	sadd.s32 $0xFFFFE003, lr  }
0x1b: {  	s9 =	sadd.s32 $0xFFFFFEF7, lr;
	s5 =	simm.s32 $0xFFFFFFFF;
	p2 =	slt.u32 s8, $0xFFFFF086  }
0x1c: {  	p1 =	slt.u32 s9, $0xF7A;
	s5 =	simm.s32 @!p2 $0x0  }
0x1d: {  	s5 =	simm.s32 @p1 $0x1;
	p0 =	seq.s32 s7, s2  }
0x1e: {  	s7 =	smul.u32 @!p0 $0xF7A, s2;
	p2 =	seq.s32 @!p0 s5, $0x0  }
0x1f: {  	s9 =	smul.u32 $0xF7A, s1;
	s8 =	simm.s32 @!p0 $0x1BF5;
	p2 =	por !p2, p0  }
0x20: {  	[sflag:s8] =	ssyncset.s32 @!p0 $0xFFFFF086;
	s6 =	sadd.s32 @!p0 s3, s7;
	s7 =	simm.s32 @!p0 $0x108  }
0x21: {  	s3 =	sadd.s32 s3, s9;
	s6 =	sadd.s32 @!p0 $0x88, s6;
	s7 =	simm.s32 @p2 $0x1082  }
0x22: {  	[simem:s7], [sflag:s8] =	dma.local @!p0 [hbm:s6], $0xF7A  }
0x23: {  	s9 =	sor.u32 $0xD0000000, s2;
	s6 =	simm.s32 $0x108;
	_ =	swait.ge @!p0 [sflag:s8], $0x0  }
0x24: {  	s3 =	sadd.s32 $0x88, s3;
	s6 =	simm.s32 @!p1 $0x1082;
	[sflag:s4] =	ssyncset.s32 $0xFFFFF086  }
0x25: {  	[simem:s6], [sflag:s4] =	dma.local [hbm:s3], $0xF7A  }
0x26: {  	[smem:$0x3F9B] =	sst s1;
	(tag) =	ssettag s2;
	_ =	strace s9  }
0x27: {  	s1 =	sld [smem:$0x3FAB]  }
0x28: {  	s2 =	sld [smem:$0x3FAC]  }
0x29: {  	s4 =	sld [smem:$0x3FAE]  }
0x2a: {  	p0 =	seq.s32 s5, $0x0;
	s5 =	sld [smem:$0x3FAF]  }
0x2b: {  	s6 =	sld [smem:$0x3FB0]  }
0x2c: {  	s7 =	sld [smem:$0x3FB1]  }
0x2d: {  	s3 =	simm.s32 $0x108;
	s8 =	sld [smem:$0x3FB2]  }
0x2e: {  	s3 =	simm.s32 @!p0 $0x1082;
	s9 =	sld [smem:$0x3FB3]  }
0x2f: {  	lr =	sadd.s32 s0, s3;
	s0 =	sld [smem:$0x3FAA]  }
0x30: {  	s3 =	sld [smem:$0x3FAD]  }
0x31: {  	[smem:$0x3FB6] =	sst s10  }
0x32: {  	s10 =	sld [smem:$0x3FB4];
	_ =	sdelay $0x3  }
0x33: {  	p0 =	seq.s32 s10, $0x1;
	s10 =	sld [smem:$0x3FB6];
	_ =	sdelay $0x3  }
0x34: {  	[smem:$0x3FB6] =	sst s10  }
0x35: {  	s10 =	sld [smem:$0x3FB5];
	_ =	sdelay $0x3  }
0x36: {  	p1 =	seq.s32 s10, $0x1;
	s10 =	sld [smem:$0x3FB6];
	_ =	sdelay $0x3  }
0x37: {  	[smem:$0x3FB6] =	sst s10  }
0x38: {  	s10 =	sld [smem:$0x3FB7]  }
0x39: {  	_ = 	snop;
	(pc) =	sbr.ind lr, $3  }
0x3a: {  	_ = 	snop  }
0x3b: {  	_ = 	snop  }
0x3c: {  	p2 =	seq.s32 s10, $0x1;
	s10 =	sld [smem:$0x3FB6]  }
0x3d: {  	_ =	shalt  }
0x3e: {  	_ =	shalt  }
0x3f: {  	_ =	shalt  }
0x40: {  	_ =	shalt  }
0x41: {  	_ =	shalt  }
0x42: {  	_ =	shalt  }
0x43: {  	_ =	shalt  }
0x44: {  	_ =	shalt  }
0x45: {  	_ =	shalt  }
0x46: {  	_ =	shalt  }
0x47: {  	_ =	shalt  }
0x48: {  	_ =	shalt  }
0x49: {  	_ =	shalt  }
0x4a: {  	_ =	shalt  }
0x4b: {  	_ =	shalt  }
0x4c: {  	_ =	shalt  }
0x4d: {  	_ =	shalt  }
0x4e: {  	_ =	shalt  }
0x4f: {  	_ =	shalt  }
0x50: {  	_ =	shalt  }
0x51: {  	_ =	shalt  }
0x52: {  	_ =	shalt  }
0x53: {  	_ =	shalt  }
0x54: {  	_ =	shalt  }
0x55: {  	_ =	shalt  }
0x56: {  	_ =	shalt  }
0x57: {  	_ =	shalt  }
0x58: {  	_ =	shalt  }
0x59: {  	_ =	shalt  }
0x5a: {  	_ =	shalt  }
0x5b: {  	_ =	shalt  }
0x5c: {  	_ =	shalt  }
0x5d: {  	_ =	shalt  }
0x5e: {  	_ =	shalt  }
0x5f: {  	_ =	shalt  }
0x60: {  	_ =	shalt  }
0x61: {  	_ =	shalt  }
0x62: {  	_ =	shalt  }
0x63: {  	_ =	shalt  }
0x64: {  	_ =	shalt  }
0x65: {  	_ =	shalt  }
0x66: {  	_ =	shalt  }
0x67: {  	_ =	shalt  }
0x68: {  	_ =	shalt  }
0x69: {  	_ =	shalt  }
0x6a: {  	_ =	shalt  }
0x6b: {  	_ =	shalt  }
0x6c: {  	_ =	shalt  }
0x6d: {  	_ =	shalt  }
0x6e: {  	_ =	shalt  }
0x6f: {  	_ =	shalt  }
0x70: {  	_ =	shalt  }
0x71: {  	_ =	shalt  }
0x72: {  	_ =	shalt  }
0x73: {  	_ =	shalt  }
0x74: {  	_ =	shalt  }
0x75: {  	_ =	shalt  }
0x76: {  	_ =	shalt  }
0x77: {  	_ =	shalt  }
0x78: {  	_ =	shalt  }
0x79: {  	_ =	shalt  }
0x7a: {  	_ =	shalt  }
0x7b: {  	_ =	shalt  }
0x7c: {  	_ =	shalt  }
0x7d: {  	_ =	shalt  }
0x7e: {  	_ =	shalt  }
0x7f: {  	_ =	shalt  }
0x80: {  	_ =	shalt  }
0x81: {  	_ =	shalt  }
0x82: {  	_ =	shalt  }
0x83: {  	_ =	shalt  }
0x84: {  	_ =	shalt  }
0x85: {  	_ =	shalt  }
0x86: {  	_ =	shalt  }
0x87: {  	_ =	shalt  }
.Lfunc_end0:
.L_simem_size_0:
called_computation_lowered:
.L_overlay_start_0:
0x88: {  	s2 =	sld [smem:$0x3FD9]  }
0x89: {  	s3 =	sld [smem:$0x3FFE];
	_ =	sdelay $0x1  }
0x8a: {  	s1 =	srdreg.scid  }
0x8b: {  	s0 =	sand.u32 $0x1, s1  }
0x8c: {  	s17 =	sshll.u32 s0, $0xA;
	s2 =	sadd.s32 s3, s2  }
0x8d: {  	s2 =	sadd.s32 s2, s17  }
0x8e: {  	[smem:$0x3FC2] =	sst s2  }
0x8f: {  	_ = 	snop  }
0x90: {  	s18 =	sld [smem:$0x3FD0];
	(tm) =	ssettm $0x1  }
0x91: {  	s19 =	sld [smem:$0x3FFB];
	_ =	sdelay $0x3  }
0x92: {  	_ =	strace s19  }
0x93: {  	s2 =	sld [smem:$0x3FFC];
	_ =	sdelay $0x3  }
0x94: {  	_ =	strace s2  }
0x95: {  	s2 =	sld [smem:$0x3FFD];
	_ =	sdelay $0x3  }
0x96: {  	_ =	strace s2  }
0x97: {  	_ =	strace $0x8FFFFFFF  }
0x98: {  	s20 =	sld [smem:$0x3FDB];
	_ =	sdelay $0x1  }
0x99: {  	s4 =	simm.s32 $_scs_section_size  }
0x9a: {  	s5 =	simm.s32 $_size__tile_overlayer_lowered;
	s6 =	simm.s32 $_tile_overlayer_lowered  }
0x9b: {  	s7 =	simm.s32 $0x1BFF;
	s21 =	sshll.u32 s6, $0x1;
	s4 =	sadd.s32 s4, s20  }
0x9c: {  	s22 =	simm.s32 $0x0;
	s5 =	sshll.u32 s5, $0x1;
	s6 =	sadd.s32 s21, s4  }
0x9d: {  	[timem:s22], [sflag:s7] =	dma.local [hbm:s6], s5  }
0x9e: {  	_ =	swait.ge [sflag:s7], s5  }
0x9f: {  	s5 =	ssub.s32 $0x0, s5;
	[sflag:s7] =	ssyncset.done $0x0  }
0xa0: {  	[sflag:s7] =	ssyncadd.s32 s5;
	_ =	sdelay $0x1  }
0xa1: {  	s23 =	simm.s32 $0x1B8B  }
0xa2: {  	_ =	swait.ge [sflag:s23], $0x1  }
0xa3: {  	[sflag:s23] =	ssyncset.done $0x0  }
0xa4: {  	[sflag:s23] =	ssyncadd.s32 $0xFFFFFFFF  }
0xa5: {  	s5 =	sld [smem:$0x0]  }
0xa6: {  	s6 =	sand.u32 $0xFFFFFFFE, s1  }
0xa7: {  	p0 =	sne.s32 s1, s6  }
0xa8: {  	s6 =	sshll.u32 @p0 s6, $0xE  }
0xa9: {  	s6 =	sadd.s32 @p0 $0x11B8D, s6;
	s7 =	sshll.u32 @p0 s5, $0x11  }
0xaa: {  	s6 =	sor.u32 @p0 s7, s6  }
0xab: {  	[sflag:s6] =	ssyncadd.remote.s32 @p0 $0x1;
	_ =	sdelay $0x1  }
0xac: {  	s6 =	simm.s32 @p0 $0x1B8D  }
0xad: {  	_ =	swait.eq @p0 [sflag:s6], $0x1  }
0xae: {  	[sflag:s6] =	ssyncadd.s32 @p0 $0xFFFFFFFF  }
0xaf: {  	s7 =	sshll.u32 @!p0 s1, $0xE  }
0xb0: {  	s7 =	sor.u32 @!p0 $0x4000, s7;
	s6 =	simm.s32 @!p0 $0x1B8D  }
0xb1: {  	s5 =	sshll.u32 @!p0 s5, $0x11;
	s7 =	sadd.s32 @!p0 $0x11B8D, s7;
	_ =	swait.eq @!p0 [sflag:s6], $0x1  }
0xb2: {  	s5 =	sor.u32 @!p0 s5, s7;
	[sflag:s6] =	ssyncadd.s32 @!p0 $0xFFFFFFFF  }
0xb3: {  	s25 =	simm.s32 $0x1B8E;
	s24 =	sld [smem:$0x3FFE];
	[sflag:s5] =	ssyncadd.remote.s32 @!p0 $0x1  }
0xb4: {  	s26 =	simm.s32 $execute0_lowered;
	[smem:$0x3FD2] =	sst s25  }
0xb5: {  	s6 =	sshll.u32 s26, $0x1;
	_ =	strace $0x80000049;
	[dreg:$0x1] =	wrdreg $0xFFFFFFFF  }
0xb6: {  	s28 =	simm.s32 $_size_execute0_lowered;
	s4 =	sadd.s32 s4, s6;
	[dreg:$0x0] =	wrdreg $0x0  }
0xb7: {  	s6 =	sshll.u32 s28, $0x1;
	[dreg:$0x2] =	wrdreg s4  }
0xb8: {  	[dreg:$0x3] =	wrdreg s6  }
0xb9: {  	[dreg:$0x4] =	wrdreg $0xC0  }
0xba: {  	_ =	task [dreg:s22], $0x5FFFF  }
0xbb: {  	[dreg:$0x1] =	wrdreg $0xFFFFFFFF  }
0xbc: {  	[dreg:$0x0] =	wrdreg $0x60  }
0xbd: {  	[dreg:$0x2] =	wrdreg s24  }
0xbe: {  	[dreg:$0x3] =	wrdreg s18  }
0xbf: {  	[dreg:$0x4] =	wrdreg $0x9  }
0xc0: {  	_ =	task.clear_ibuf [dreg:s22], $0x5FFFF;
	_ =	strace $0x90000049  }
0xc1: {  	s29 =	simm.s32 $0x9;
	_ =	strace $0x8000004B  }
0xc2: {  	_ =	swait.ge [sflag:s29], $0x1  }
0xc3: {  	[sflag:s29] =	ssyncadd.s32 $0xFFFFFFFF  }
0xc4: {  	_ =	strace $0x9000004B  }
0xc5: {  	_ =	sfence  }
0xc6: {  	s30 =	sld [smem:$0x0];
	_ =	sdelay $0x2  }
0xc7: {  	s31 =	sshll.u32 s1, $0xD;
	s1 =	sshrl.u32 s1, $0x2  }
0xc8: {  	s4 =	sand.u32 $0x4000, s31;
	s1 =	sadd.s32 s1, s30  }
0xc9: {  	s0 =	sor.u32 s4, s0;
	s1 =	sshll.u32 s1, $0x11  }
0xca: {  	s0 =	sor.u32 s1, s0  }
0xcb: {  	s0 =	sadd.s32 $0x8F2B, s0  }
0xcc: {  	[sflag:s0] =	ssyncadd.remote.s32 $0x1  }
0xcd: {  	_ =	sfence.sel $0xFFFF  }
0xce: {  	[dreg:$0x0] =	wrdreg $0xFFFFFFFF;
	(pc) =	sbr.abs _section_cstart, $3  }
0xcf: {  	[dreg:$0x1] =	wrdreg $0xFFFFFFFF  }
0xd0: {  	_ =	task.clear_ibuf [dreg:s22], $0x2FFFF;
	_ =	strace $0x9FFFFFFF  }
0xd1: {  	(tm) =	ssettm $0x7FFFFFFF  }
tec
execute0_lowered:
.L_overlay_start_1:
0x0: {  	(tag) =	ssettag $0x1  }
0x1: {  	s4 =	rddreg [dreg:$0x0]  }
0x2: {  	s9 =	rddreg [dreg:$0x1]  }
0x3: {  	s0 =	rddreg [dreg:$0x2];
	s3 =	srdreg.scid  }
0x4: {  	s1 =	stileid.u32;
	s2 =	simm.s32 $0x0;
	s15 =	simm.s32 $0x200  }
0x5: {  	s16 =	simm.s32 $0xCC00;
	s17 =	simm.s32 $0x1;
	s18 =	simm.s32 $0x3  }
0x6: {  	s19 =	simm.s32 $0x2;
	s20 =	simm.s32 $0x4;
	s8 =	smul.u32 $0x19000, s1  }
0x7: {  	s21 =	simm.s32 $0x0;
	s10 =	sand.u32 $0x1, s3;
	s14 =	smul.u32 $0x190000, s1  }
0x8: {  	s25 =	sshll.u32 s1, $0x1;
	[smem:$0x7FF] =	sst s2;
	s13 =	smul.u32 $0xC800, s10  }
0x9: {  	s5 =	sor.u32 s10, s25;
	s26 =	ssub.s32 $0x2, s10;
	s10 =	smul.u32 $0xC8000, s10  }
0xa: {  	s3 =	sadd.s32 $0x32E00, s4;
	s11 =	sadd.s32 $0x1AB9800, s4;
	s6 =	smul.u32 $0xC800, s5  }
0xb: {  	_ =	strace $0x8000004A;
	s7 =	smul.u32 $0xC8000, s5;
	s28 =	sshrl.u32 s26, $0x1  }
0xc: {  	s14 =	sadd.s32 s14, s9;
	s12 =	ssub.s32 s26, s28;
	s13 =	sadd.s32 s13, s8  }
0xd: {  	s10 =	sadd.s32 s10, s14;
	s14 =	simm.s32 $0x400;
	s6 =	sshrl.u32 s6, $0x3  }
0xe: {  	s29 =	sadd.s32 s9, s7;
	s30 =	sor.u32 $0x4B0, s13;
	s13 =	sor.u32 $0x320, s13  }
0xf: {  	s10 =	sadd.s32 $0x1900, s10;
	s4 =	sadd.s32 s11, s6;
	s6 =	smax.u32 s12, $0x1  }
0x10: {  	s7 =	sadd.s32 $0xC4E00, s29;
	s8 =	sadd.s32 $0xC6700, s29;
	s12 =	sshrl.u32 s30, $0x3  }
0x11: {  	s31 =	sshrl.u32 s13, $0x3;
	s13 =	simm.s32 $0x190;
	s5 =	sadd.s32 $0x32, s4  }
0x12: {  	s9 =	sadd.s32 s12, s11;
	s11 =	sadd.s32 s31, s11;
	s12 =	simm.s32 $0x5  }
.LBB2_1:
0x13: {  	[tilespmem:s2], [sflag:$0x5] =	stream.linear.gather [hbm4b:s4+s2], $0x190, $0x38;
	[tilespmem:$0x19400] =	vst v63  }
0x14: {  	_ =	swait.ge [sflag:s12], $0x190  }
0x15: {  	[sflag:s12] =	ssyncset.done $0x0  }
0x16: {  	[sflag:s12] =	ssyncadd.s32 $0xFFFFFE70  }
0x17: {  	[tilespmem:s14], [sflag:$0x1] =	stream.indirect.gather [hbm4b:s3+s13], $0x80, s2, s13, $0xb8;
	[tilespmem:$0x19400] =	vst v63  }
0x18: {  	_ = 	snop  }
0x19: {  	[tilespmem:s15], [sflag:$0x5] =	stream.linear.gather [hbm4b:s5+s2], $0x190, $0x38;
	[tilespmem:$0x19400] =	vst v63  }
0x1a: {  	_ =	swait.ge [sflag:s12], $0x190  }
0x1b: {  	[sflag:s12] =	ssyncset.done $0x0  }
0x1c: {  	[sflag:s12] =	ssyncadd.s32 $0xFFFFFE70  }
0x1d: {  	[tilespmem:s16], [sflag:$0x2] =	stream.indirect.gather [hbm4b:s3+s13], $0x80, s15, s13, $0xb8;
	[tilespmem:$0x19400] =	vst v63  }
0x1e: {  	_ =	swait.ge [sflag:s17], $0xC800  }
0x1f: {  	[sflag:s17] =	ssyncset.done $0x0  }
0x20: {  	s22 =	sadd.s32 $0xFFFFE700, s10;
	[sflag:s17] =	ssyncadd.s32 $0xFFFF3800  }
0x21: {  	[hbm4b:s22+s2] =	stream.linear.scatter [tilespmem:s14], [sflag:$0x3], $0xC800, $0x38;
	[tilespmem:$0x19400] =	vst v63  }
0x22: {  	_ =	swait.ge [sflag:s18], $0xC800  }
0x23: {  	[sflag:s18] =	ssyncset.done $0x0  }
0x24: {  	s30 =	sadd.s32 $0x0, s11;
	[sflag:s18] =	ssyncadd.s32 $0xFFFF3800  }
0x25: {  	[tilespmem:s2], [sflag:$0x5] =	stream.linear.gather [hbm4b:s30+s2], $0x190, $0x38;
	[tilespmem:$0x19400] =	vst v63  }
0x26: {  	_ =	swait.ge [sflag:s12], $0x190  }
0x27: {  	[sflag:s12] =	ssyncset.done $0x0  }
0x28: {  	[sflag:s12] =	ssyncadd.s32 $0xFFFFFE70  }
0x29: {  	[tilespmem:s14], [sflag:$0x1] =	stream.indirect.gather [hbm4b:s3+s13], $0x80, s2, s13, $0xb8;
	[tilespmem:$0x19400] =	vst v63  }
0x2a: {  	_ =	swait.ge [sflag:s19], $0xC800  }
0x2b: {  	[sflag:s19] =	ssyncset.done $0x0  }
0x2c: {  	[sflag:s19] =	ssyncadd.s32 $0xFFFF3800  }
0x2d: {  	[hbm4b:s10+s2] =	stream.linear.scatter [tilespmem:s16], [sflag:$0x4], $0xC800, $0x38;
	[tilespmem:$0x19400] =	vst v63  }
0x2e: {  	_ =	swait.ge [sflag:s20], $0xC800  }
0x2f: {  	[sflag:s20] =	ssyncset.done $0x0  }
0x30: {  	s31 =	sadd.s32 $0x0, s9;
	[sflag:s20] =	ssyncadd.s32 $0xFFFF3800  }
0x31: {  	[tilespmem:s15], [sflag:$0x5] =	stream.linear.gather [hbm4b:s31+s2], $0x190, $0x38;
	[tilespmem:$0x19400] =	vst v63  }
0x32: {  	_ =	swait.ge [sflag:s12], $0x190  }
0x33: {  	[sflag:s12] =	ssyncset.done $0x0  }
0x34: {  	s23 =	sadd.s32 $0x3200, s10;
	s22 =	simm.s32 $0x64;
	[sflag:s12] =	ssyncadd.s32 $0xFFFFFE70  }
.LBB2_2:
0x35: {  	[tilespmem:s16], [sflag:$0x2] =	stream.indirect.gather [hbm4b:s3+s13], $0x80, s15, s13, $0xb8;
	[tilespmem:$0x19400] =	vst v63  }
0x36: {  	s24 =	smov.u32 s22  }
0x37: {  	p0 =	sne.s32 s22, $0x1838;
	s22 =	sadd.s32 $0x64, s22;
	_ =	swait.ge [sflag:s17], $0xC800  }
0x38: {  	[sflag:s17] =	ssyncset.done $0x0  }
0x39: {  	s25 =	sadd.s32 $0xFFFFE700, s23;
	[sflag:s17] =	ssyncadd.s32 $0xFFFF3800  }
0x3a: {  	[hbm4b:s25+s2] =	stream.linear.scatter [tilespmem:s14], [sflag:$0x3], $0xC800, $0x38;
	[tilespmem:$0x19400] =	vst v63  }
0x3b: {  	_ =	swait.ge [sflag:s18], $0xC800  }
0x3c: {  	[sflag:s18] =	ssyncset.done $0x0  }
0x3d: {  	s25 =	sadd.s32 s24, s11;
	[sflag:s18] =	ssyncadd.s32 $0xFFFF3800  }
0x3e: {  	[tilespmem:s2], [sflag:$0x5] =	stream.linear.gather [hbm4b:s25+s2], $0x190, $0x38;
	[tilespmem:$0x19400] =	vst v63  }
0x3f: {  	_ =	swait.ge [sflag:s12], $0x190  }
0x40: {  	[sflag:s12] =	ssyncset.done $0x0  }
0x41: {  	[sflag:s12] =	ssyncadd.s32 $0xFFFFFE70  }
0x42: {  	[tilespmem:s14], [sflag:$0x1] =	stream.indirect.gather [hbm4b:s3+s13], $0x80, s2, s13, $0xb8;
	[tilespmem:$0x19400] =	vst v63  }
0x43: {  	_ =	swait.ge [sflag:s19], $0xC800  }
0x44: {  	[sflag:s19] =	ssyncset.done $0x0  }
0x45: {  	[sflag:s19] =	ssyncadd.s32 $0xFFFF3800  }
0x46: {  	[hbm4b:s23+s2] =	stream.linear.scatter [tilespmem:s16], [sflag:$0x4], $0xC800, $0x38;
	[tilespmem:$0x19400] =	vst v63  }
0x47: {  	_ =	swait.ge [sflag:s20], $0xC800  }
0x48: {  	[sflag:s20] =	ssyncset.done $0x0  }
.Ltmp0:
0x49: {  	s24 =	sadd.s32 s24, s9;
	[sflag:s20] =	ssyncadd.s32 $0xFFFF3800;
	(pc) =	sbr.rel @p0 .LBB2_2-.Ltmp0, $4  }
0x4a: {  	[tilespmem:s15], [sflag:$0x5] =	stream.linear.gather [hbm4b:s24+s2], $0x190, $0x38;
	[tilespmem:$0x19400] =	vst v63  }
0x4b: {  	_ =	swait.ge [sflag:s12], $0x190  }
0x4c: {  	[sflag:s12] =	ssyncset.done $0x0  }
0x4d: {  	s23 =	sadd.s32 $0x3200, s23;
	[sflag:s12] =	ssyncadd.s32 $0xFFFFFE70  }
0x4e: {  	[tilespmem:s16], [sflag:$0x2] =	stream.indirect.gather [hbm4b:s3+s13], $0x80, s15, s13, $0xb8;
	[tilespmem:$0x19400] =	vst v63  }
0x4f: {  	_ =	swait.ge [sflag:s17], $0xC800  }
0x50: {  	[sflag:s17] =	ssyncset.done $0x0  }
0x51: {  	[sflag:s17] =	ssyncadd.s32 $0xFFFF3800  }
0x52: {  	[hbm4b:s7+s2] =	stream.linear.scatter [tilespmem:s14], [sflag:$0x3], $0xC800, $0x38;
	[tilespmem:$0x19400] =	vst v63  }
0x53: {  	_ =	swait.ge [sflag:s19], $0xC800  }
0x54: {  	[sflag:s19] =	ssyncset.done $0x0  }
0x55: {  	s21 =	sadd.s32 $0x1, s21;
	[sflag:s19] =	ssyncadd.s32 $0xFFFF3800  }
0x56: {  	[hbm4b:s8+s2] =	stream.linear.scatter [tilespmem:s16], [sflag:$0x4], $0xC800, $0x38;
	[tilespmem:$0x19400] =	vst v63  }
0x57: {  	p0 =	sne.s32 s21, s6;
	_ =	swait.ge [sflag:s18], $0xC800  }
.Ltmp1:
0x58: {  	[sflag:s18] =	ssyncset.done $0x0;
	(pc) =	sbr.rel @p0 .LBB2_1-.Ltmp1, $4  }
0x59: {  	[sflag:s18] =	ssyncadd.s32 $0xFFFF3800  }
0x5a: {  	_ =	swait.ge [sflag:s20], $0xC800  }
0x5b: {  	[sflag:s20] =	ssyncset.done $0x0  }
0x5c: {  	[sflag:s20] =	ssyncadd.s32 $0xFFFF3800  }
0x5d: {  	_ =	sfence.sel $0x180000  }
0x5e: {  	[bflag:$0x0] =	sbarrier.arrive $0xFFFF  }
0x5f: {  	p0 =	sne.s32 s1, $0x0;
	_ =	strace $0x9000004A  }
0x60: {  	s0 =	sadd.s32 @!p0 $0x100000, s0;
	[bflag:$0x2] =	sbarrier.arrive $0xFFFF  }
0x61: {  	[sflag:s0] =	ssyncadd.tile.s32 @!p0 $0x1;
	_ =	shalt  }
.Lfunc_end2:
_tile_overlayer_lowered:
.L_overlay_start_2:
0x62: {  	(tag) =	ssettag $0x2  }
0x63: {  	s0 =	rddreg [dreg:$0x0];
	s2 =	stileid.u32  }
0x64: {  	s1 =	rddreg [dreg:$0x1];
	p0 =	sne.s32 s2, $0x0  }
0x65: {  	s3 =	rddreg [dreg:$0x2];
	[bflag:$0x3] =	sbarrier.arrive $0xFFFF;
	s2 =	simm.s32 @!p0 $0x1C05  }
0x66: {  	[timem:s3], [sflag:s2] =	dma.local @!p0 [hbm:s0], s1  }
0x67: {  	s0 =	simm.s32 @!p0 $0x5  }
0x68: {  	_ =	swait.ge @!p0 [sflag:s0], s1  }
0x69: {  	s1 =	ssub.s32 @!p0 $0x0, s1;
	[sflag:s0] =	ssyncset.done @!p0 $0x0  }
0x6a: {  	[sflag:s0] =	ssyncadd.s32 @!p0 s1  }
0x6b: {  	[bflag:$0x3] =	sbarrier.arrive $0xFFFF  }
0x6c: {  	_ =	shalt  }

// kernel: kernel.9.cloned.1.call-start
scs
__scs_entry_jumppad:
0x0: {  	(pc) =	sbr.rel $0x88, $3  }
0x1: {  	(tag) =	ssettag $0x0;
	lr =	simm.s32 $0x1  }
0x2: {  	[smem:$0x3F9B] =	sst lr;
	_ =	strace $0xD0000000  }
0x3: {  	_ = 	snop  }
0x4: {  	_ = 	snop  }
0x5: {  	_ = 	snop  }
0x6: {  	_ = 	snop  }
0x7: {  	_ = 	snop  }
__scs_overlays_trampoline_lowered:
0x8: {  	[smem:$0x3FAA] =	sst s0  }
0x9: {  	[smem:$0x3FAB] =	sst s1  }
0xa: {  	[smem:$0x3FAC] =	sst s2  }
0xb: {  	[smem:$0x3FAD] =	sst s3  }
0xc: {  	[smem:$0x3FAE] =	sst s4  }
0xd: {  	[smem:$0x3FAF] =	sst s5  }
0xe: {  	[smem:$0x3FB0] =	sst s6  }
0xf: {  	[smem:$0x3FB1] =	sst s7  }
0x10: {  	[smem:$0x3FB2] =	sst s8  }
0x11: {  	[smem:$0x3FB3] =	sst s9;
	s0 =	simm.s32 @!p0 $0x0  }
0x12: {  	s1 =	sld [smem:$0x3F99];
	s0 =	simm.s32 @p0 $0x1  }
0x13: {  	[smem:$0x3FB4] =	sst s0;
	s0 =	simm.s32 @!p1 $0x0  }
0x14: {  	s2 =	sld [smem:$0x3F98];
	s0 =	simm.s32 @p1 $0x1  }
0x15: {  	[smem:$0x3FB5] =	sst s0;
	s0 =	simm.s32 @!p2 $0x0  }
0x16: {  	s3 =	sld [smem:$0x3FDB];
	s0 =	simm.s32 @p2 $0x1  }
0x17: {  	s4 =	simm.s32 $0x1BF5;
	[smem:$0x3FB7] =	sst s0  }
0x18: {  	s0 =	sld [smem:$0x3F9A];
	_ =	swait.ge [sflag:s4], $0x0  }
0x19: {  	s7 =	sld [smem:$0x3F9B]  }
0x1a: {  	s8 =	sadd.s32 $0xFFFFE003, lr  }
0x1b: {  	s9 =	sadd.s32 $0xFFFFFEF7, lr;
	s5 =	simm.s32 $0xFFFFFFFF;
	p2 =	slt.u32 s8, $0xFFFFF086  }
0x1c: {  	p1 =	slt.u32 s9, $0xF7A;
	s5 =	simm.s32 @!p2 $0x0  }
0x1d: {  	s5 =	simm.s32 @p1 $0x1;
	p0 =	seq.s32 s7, s2  }
0x1e: {  	s7 =	smul.u32 @!p0 $0xF7A, s2;
	p2 =	seq.s32 @!p0 s5, $0x0  }
0x1f: {  	s9 =	smul.u32 $0xF7A, s1;
	s8 =	simm.s32 @!p0 $0x1BF5;
	p2 =	por !p2, p0  }
0x20: {  	[sflag:s8] =	ssyncset.s32 @!p0 $0xFFFFF086;
	s6 =	sadd.s32 @!p0 s3, s7;
	s7 =	simm.s32 @!p0 $0x108  }
0x21: {  	s3 =	sadd.s32 s3, s9;
	s6 =	sadd.s32 @!p0 $0x88, s6;
	s7 =	simm.s32 @p2 $0x1082  }
0x22: {  	[simem:s7], [sflag:s8] =	dma.local @!p0 [hbm:s6], $0xF7A  }
0x23: {  	s9 =	sor.u32 $0xD0000000, s2;
	s6 =	simm.s32 $0x108;
	_ =	swait.ge @!p0 [sflag:s8], $0x0  }
0x24: {  	s3 =	sadd.s32 $0x88, s3;
	s6 =	simm.s32 @!p1 $0x1082;
	[sflag:s4] =	ssyncset.s32 $0xFFFFF086  }
0x25: {  	[simem:s6], [sflag:s4] =	dma.local [hbm:s3], $0xF7A  }
0x26: {  	[smem:$0x3F9B] =	sst s1;
	(tag) =	ssettag s2;
	_ =	strace s9  }
0x27: {  	s1 =	sld [smem:$0x3FAB]  }
0x28: {  	s2 =	sld [smem:$0x3FAC]  }
0x29: {  	s4 =	sld [smem:$0x3FAE]  }
0x2a: {  	p0 =	seq.s32 s5, $0x0;
	s5 =	sld [smem:$0x3FAF]  }
0x2b: {  	s6 =	sld [smem:$0x3FB0]  }
0x2c: {  	s7 =	sld [smem:$0x3FB1]  }
0x2d: {  	s3 =	simm.s32 $0x108;
	s8 =	sld [smem:$0x3FB2]  }
0x2e: {  	s3 =	simm.s32 @!p0 $0x1082;
	s9 =	sld [smem:$0x3FB3]  }
0x2f: {  	lr =	sadd.s32 s0, s3;
	s0 =	sld [smem:$0x3FAA]  }
0x30: {  	s3 =	sld [smem:$0x3FAD]  }
0x31: {  	[smem:$0x3FB6] =	sst s10  }
0x32: {  	s10 =	sld [smem:$0x3FB4];
	_ =	sdelay $0x3  }
0x33: {  	p0 =	seq.s32 s10, $0x1;
	s10 =	sld [smem:$0x3FB6];
	_ =	sdelay $0x3  }
0x34: {  	[smem:$0x3FB6] =	sst s10  }
0x35: {  	s10 =	sld [smem:$0x3FB5];
	_ =	sdelay $0x3  }
0x36: {  	p1 =	seq.s32 s10, $0x1;
	s10 =	sld [smem:$0x3FB6];
	_ =	sdelay $0x3  }
0x37: {  	[smem:$0x3FB6] =	sst s10  }
0x38: {  	s10 =	sld [smem:$0x3FB7]  }
0x39: {  	_ = 	snop;
	(pc) =	sbr.ind lr, $3  }
0x3a: {  	_ = 	snop  }
0x3b: {  	_ = 	snop  }
0x3c: {  	p2 =	seq.s32 s10, $0x1;
	s10 =	sld [smem:$0x3FB6]  }
0x3d: {  	_ =	shalt  }
0x3e: {  	_ =	shalt  }
0x3f: {  	_ =	shalt  }
0x40: {  	_ =	shalt  }
0x41: {  	_ =	shalt  }
0x42: {  	_ =	shalt  }
0x43: {  	_ =	shalt  }
0x44: {  	_ =	shalt  }
0x45: {  	_ =	shalt  }
0x46: {  	_ =	shalt  }
0x47: {  	_ =	shalt  }
0x48: {  	_ =	shalt  }
0x49: {  	_ =	shalt  }
0x4a: {  	_ =	shalt  }
0x4b: {  	_ =	shalt  }
0x4c: {  	_ =	shalt  }
0x4d: {  	_ =	shalt  }
0x4e: {  	_ =	shalt  }
0x4f: {  	_ =	shalt  }
0x50: {  	_ =	shalt  }
0x51: {  	_ =	shalt  }
0x52: {  	_ =	shalt  }
0x53: {  	_ =	shalt  }
0x54: {  	_ =	shalt  }
0x55: {  	_ =	shalt  }
0x56: {  	_ =	shalt  }
0x57: {  	_ =	shalt  }
0x58: {  	_ =	shalt  }
0x59: {  	_ =	shalt  }
0x5a: {  	_ =	shalt  }
0x5b: {  	_ =	shalt  }
0x5c: {  	_ =	shalt  }
0x5d: {  	_ =	shalt  }
0x5e: {  	_ =	shalt  }
0x5f: {  	_ =	shalt  }
0x60: {  	_ =	shalt  }
0x61: {  	_ =	shalt  }
0x62: {  	_ =	shalt  }
0x63: {  	_ =	shalt  }
0x64: {  	_ =	shalt  }
0x65: {  	_ =	shalt  }
0x66: {  	_ =	shalt  }
0x67: {  	_ =	shalt  }
0x68: {  	_ =	shalt  }
0x69: {  	_ =	shalt  }
0x6a: {  	_ =	shalt  }
0x6b: {  	_ =	shalt  }
0x6c: {  	_ =	shalt  }
0x6d: {  	_ =	shalt  }
0x6e: {  	_ =	shalt  }
0x6f: {  	_ =	shalt  }
0x70: {  	_ =	shalt  }
0x71: {  	_ =	shalt  }
0x72: {  	_ =	shalt  }
0x73: {  	_ =	shalt  }
0x74: {  	_ =	shalt  }
0x75: {  	_ =	shalt  }
0x76: {  	_ =	shalt  }
0x77: {  	_ =	shalt  }
0x78: {  	_ =	shalt  }
0x79: {  	_ =	shalt  }
0x7a: {  	_ =	shalt  }
0x7b: {  	_ =	shalt  }
0x7c: {  	_ =	shalt  }
0x7d: {  	_ =	shalt  }
0x7e: {  	_ =	shalt  }
0x7f: {  	_ =	shalt  }
0x80: {  	_ =	shalt  }
0x81: {  	_ =	shalt  }
0x82: {  	_ =	shalt  }
0x83: {  	_ =	shalt  }
0x84: {  	_ =	shalt  }
0x85: {  	_ =	shalt  }
0x86: {  	_ =	shalt  }
0x87: {  	_ =	shalt  }
.Lfunc_end0:
.L_simem_size_0:
called_computation.1_lowered:
.L_overlay_start_0:
0x88: {  	s2 =	sld [smem:$0x3FD9]  }
0x89: {  	s3 =	sld [smem:$0x3FFE];
	_ =	sdelay $0x1  }
0x8a: {  	s1 =	srdreg.scid  }
0x8b: {  	s0 =	sand.u32 $0x1, s1  }
0x8c: {  	s16 =	sshll.u32 s0, $0xA;
	s2 =	sadd.s32 s3, s2  }
0x8d: {  	s2 =	sadd.s32 s2, s16  }
0x8e: {  	[smem:$0x3FC2] =	sst s2  }
0x8f: {  	_ = 	snop  }
0x90: {  	(tm) =	ssettm $0x1  }
0x91: {  	s17 =	sld [smem:$0x3FFB];
	_ =	sdelay $0x3  }
0x92: {  	_ =	strace s17  }
0x93: {  	s2 =	sld [smem:$0x3FFC];
	_ =	sdelay $0x3  }
0x94: {  	_ =	strace s2  }
0x95: {  	s2 =	sld [smem:$0x3FFD];
	_ =	sdelay $0x3  }
0x96: {  	_ =	strace s2  }
0x97: {  	_ =	strace $0x8FFFFFFF  }
0x98: {  	s18 =	sld [smem:$0x3FDB];
	_ =	sdelay $0x1  }
0x99: {  	s19 =	simm.s32 $_scs_section_size  }
0x9a: {  	s4 =	simm.s32 $_size__tile_overlayer_lowered;
	s5 =	simm.s32 $_tile_overlayer_lowered  }
0x9b: {  	s22 =	simm.s32 $0x1BFF;
	s21 =	sshll.u32 s5, $0x1;
	s2 =	sadd.s32 s19, s18  }
0x9c: {  	s6 =	simm.s32 $0x0;
	s20 =	sshll.u32 s4, $0x1;
	s4 =	sadd.s32 s21, s2  }
0x9d: {  	[timem:s6], [sflag:s22] =	dma.local [hbm:s4], s20  }
0x9e: {  	_ =	swait.ge [sflag:s22], s20  }
0x9f: {  	s3 =	ssub.s32 $0x0, s20;
	[sflag:s22] =	ssyncset.done $0x0  }
0xa0: {  	[sflag:s22] =	ssyncadd.s32 s3;
	_ =	sdelay $0x1  }
0xa1: {  	s23 =	simm.s32 $0x1B8B  }
0xa2: {  	_ =	swait.ge [sflag:s23], $0x1  }
0xa3: {  	[sflag:s23] =	ssyncset.done $0x0  }
0xa4: {  	s25 =	simm.s32 $0x1B8E;
	s24 =	sld [smem:$0x3FFE];
	[sflag:s23] =	ssyncadd.s32 $0xFFFFFFFF  }
0xa5: {  	s26 =	simm.s32 $execute0_lowered;
	[smem:$0x3FD2] =	sst s25  }
0xa6: {  	s4 =	sshll.u32 s26, $0x1;
	_ =	strace $0x80000046;
	[dreg:$0x1] =	wrdreg $0xFFFFFFFF  }
0xa7: {  	s28 =	simm.s32 $_size_execute0_lowered;
	s2 =	sadd.s32 s2, s4;
	[dreg:$0x0] =	wrdreg $0x0  }
0xa8: {  	s4 =	sshll.u32 s28, $0x1;
	[dreg:$0x2] =	wrdreg s2  }
0xa9: {  	[dreg:$0x3] =	wrdreg s4  }
0xaa: {  	[dreg:$0x4] =	wrdreg $0xC0  }
0xab: {  	_ =	task [dreg:s6], $0x5FFFF  }
0xac: {  	[dreg:$0x1] =	wrdreg $0xFFFFFFFF  }
0xad: {  	[dreg:$0x0] =	wrdreg $0x60  }
0xae: {  	[dreg:$0x2] =	wrdreg s24  }
0xaf: {  	[dreg:$0x3] =	wrdreg $0xA  }
0xb0: {  	_ =	task.clear_ibuf [dreg:s6], $0x4FFFF;
	_ =	strace $0x90000046  }
0xb1: {  	s29 =	simm.s32 $0xA;
	_ =	strace $0x80000048  }
0xb2: {  	_ =	swait.ge [sflag:s29], $0x1  }
0xb3: {  	[sflag:s29] =	ssyncadd.s32 $0xFFFFFFFF  }
0xb4: {  	_ =	strace $0x90000048  }
0xb5: {  	_ =	sfence  }
0xb6: {  	s30 =	sld [smem:$0x0];
	_ =	sdelay $0x2  }
0xb7: {  	s31 =	sshll.u32 s1, $0xD;
	s1 =	sshrl.u32 s1, $0x2  }
0xb8: {  	s3 =	sand.u32 $0x4000, s31;
	s1 =	sadd.s32 s1, s30  }
0xb9: {  	s0 =	sor.u32 s3, s0;
	s1 =	sshll.u32 s1, $0x11  }
0xba: {  	s0 =	sor.u32 s1, s0  }
0xbb: {  	s0 =	sadd.s32 $0x8F2B, s0  }
0xbc: {  	[sflag:s0] =	ssyncadd.remote.s32 $0x1  }
0xbd: {  	_ =	sfence.sel $0xFFFF  }
0xbe: {  	[dreg:$0x0] =	wrdreg $0xFFFFFFFF;
	(pc) =	sbr.abs _section_cstart, $3  }
0xbf: {  	[dreg:$0x1] =	wrdreg $0xFFFFFFFF  }
0xc0: {  	_ =	task.clear_ibuf [dreg:s6], $0x2FFFF;
	_ =	strace $0x9FFFFFFF  }
0xc1: {  	(tm) =	ssettm $0x7FFFFFFF  }
tec
execute0_lowered:
.L_overlay_start_1:
0x0: {  	(tag) =	ssettag $0x1  }
0x1: {  	s4 =	rddreg [dreg:$0x0]  }
0x2: {  	s0 =	rddreg [dreg:$0x1];
	s2 =	simm.s32 $0x0;
	s3 =	srdreg.scid  }
0x3: {  	s1 =	stileid.u32;
	s16 =	simm.s32 $0xCC00;
	s17 =	simm.s32 $0x1  }
0x4: {  	s18 =	simm.s32 $0x3;
	s19 =	simm.s32 $0x2;
	s20 =	simm.s32 $0x4  }
0x5: {  	s21 =	simm.s32 $0x0;
	[smem:$0x7FF] =	sst s2;
	s8 =	smul.u32 $0x19000, s1  }
0x6: {  	s9 =	sand.u32 $0x1, s3;
	s24 =	sshll.u32 s1, $0x1;
	s14 =	smul.u32 $0x190000, s1  }
0x7: {  	s3 =	sadd.s32 $0x32E00, s4;
	s5 =	sor.u32 s9, s24;
	s13 =	smul.u32 $0xC800, s9  }
0x8: {  	s11 =	sadd.s32 $0xE00, s4;
	s25 =	ssub.s32 $0x2, s9;
	s6 =	smul.u32 $0xC800, s5  }
0x9: {  	s10 =	sadd.s32 $0x1B9800, s4;
	s7 =	smul.u32 $0xC8000, s5;
	s26 =	sshrl.u32 s25, $0x1  }
0xa: {  	_ =	strace $0x80000047;
	s15 =	smul.u32 $0xC8000, s9;
	s12 =	ssub.s32 s25, s26  }
0xb: {  	s13 =	sadd.s32 s13, s8;
	s6 =	sshrl.u32 s6, $0x3;
	s28 =	sadd.s32 s10, s7  }
0xc: {  	s29 =	sor.u32 $0x4B0, s13;
	s10 =	sadd.s32 s14, s10;
	s31 =	sor.u32 $0x320, s13  }
0xd: {  	s13 =	simm.s32 $0x190;
	s14 =	simm.s32 $0x400;
	s4 =	sadd.s32 s11, s6  }
0xe: {  	s6 =	smax.u32 s12, $0x1;
	s7 =	sadd.s32 $0xC4E00, s28;
	s8 =	sadd.s32 $0xC6700, s28  }
0xf: {  	s30 =	sshrl.u32 s29, $0x3;
	s10 =	sadd.s32 s15, s10;
	s12 =	sshrl.u32 s31, $0x3  }
0x10: {  	s15 =	simm.s32 $0x200;
	s5 =	sadd.s32 $0x32, s4;
	s9 =	sadd.s32 s30, s11  }
0x11: {  	s10 =	sadd.s32 $0x1900, s10;
	s11 =	sadd.s32 s12, s11;
	s12 =	simm.s32 $0x5  }
.LBB2_1:
0x12: {  	[tilespmem:s2], [sflag:$0x5] =	stream.linear.gather [hbm4b:s4+s2], $0x190, $0x38;
	[tilespmem:$0x19400] =	vst v63  }
0x13: {  	_ =	swait.ge [sflag:s12], $0x190  }
0x14: {  	[sflag:s12] =	ssyncset.done $0x0  }
0x15: {  	[sflag:s12] =	ssyncadd.s32 $0xFFFFFE70  }
0x16: {  	[tilespmem:s14], [sflag:$0x1] =	stream.indirect.gather [hbm4b:s3+s13], $0x80, s2, s13, $0xb8;
	[tilespmem:$0x19400] =	vst v63  }
0x17: {  	_ = 	snop  }
0x18: {  	[tilespmem:s15], [sflag:$0x5] =	stream.linear.gather [hbm4b:s5+s2], $0x190, $0x38;
	[tilespmem:$0x19400] =	vst v63  }
0x19: {  	_ =	swait.ge [sflag:s12], $0x190  }
0x1a: {  	[sflag:s12] =	ssyncset.done $0x0  }
0x1b: {  	[sflag:s12] =	ssyncadd.s32 $0xFFFFFE70  }
0x1c: {  	[tilespmem:s16], [sflag:$0x2] =	stream.indirect.gather [hbm4b:s3+s13], $0x80, s15, s13, $0xb8;
	[tilespmem:$0x19400] =	vst v63  }
0x1d: {  	_ =	swait.ge [sflag:s17], $0xC800  }
0x1e: {  	[sflag:s17] =	ssyncset.done $0x0  }
0x1f: {  	s22 =	sadd.s32 $0xFFFFE700, s10;
	[sflag:s17] =	ssyncadd.s32 $0xFFFF3800  }
0x20: {  	[hbm4b:s22+s2] =	stream.linear.scatter [tilespmem:s14], [sflag:$0x3], $0xC800, $0x38;
	[tilespmem:$0x19400] =	vst v63  }
0x21: {  	_ =	swait.ge [sflag:s18], $0xC800  }
0x22: {  	[sflag:s18] =	ssyncset.done $0x0  }
0x23: {  	s30 =	sadd.s32 $0x0, s11;
	[sflag:s18] =	ssyncadd.s32 $0xFFFF3800  }
0x24: {  	[tilespmem:s2], [sflag:$0x5] =	stream.linear.gather [hbm4b:s30+s2], $0x190, $0x38;
	[tilespmem:$0x19400] =	vst v63  }
0x25: {  	_ =	swait.ge [sflag:s12], $0x190  }
0x26: {  	[sflag:s12] =	ssyncset.done $0x0  }
0x27: {  	[sflag:s12] =	ssyncadd.s32 $0xFFFFFE70  }
0x28: {  	[tilespmem:s14], [sflag:$0x1] =	stream.indirect.gather [hbm4b:s3+s13], $0x80, s2, s13, $0xb8;
	[tilespmem:$0x19400] =	vst v63  }
0x29: {  	_ =	swait.ge [sflag:s19], $0xC800  }
0x2a: {  	[sflag:s19] =	ssyncset.done $0x0  }
0x2b: {  	[sflag:s19] =	ssyncadd.s32 $0xFFFF3800  }
0x2c: {  	[hbm4b:s10+s2] =	stream.linear.scatter [tilespmem:s16], [sflag:$0x4], $0xC800, $0x38;
	[tilespmem:$0x19400] =	vst v63  }
0x2d: {  	_ =	swait.ge [sflag:s20], $0xC800  }
0x2e: {  	[sflag:s20] =	ssyncset.done $0x0  }
0x2f: {  	s31 =	sadd.s32 $0x0, s9;
	[sflag:s20] =	ssyncadd.s32 $0xFFFF3800  }
0x30: {  	[tilespmem:s15], [sflag:$0x5] =	stream.linear.gather [hbm4b:s31+s2], $0x190, $0x38;
	[tilespmem:$0x19400] =	vst v63  }
0x31: {  	_ =	swait.ge [sflag:s12], $0x190  }
0x32: {  	[sflag:s12] =	ssyncset.done $0x0  }
0x33: {  	s23 =	sadd.s32 $0x3200, s10;
	s22 =	simm.s32 $0x64;
	[sflag:s12] =	ssyncadd.s32 $0xFFFFFE70  }
.LBB2_2:
0x34: {  	[tilespmem:s16], [sflag:$0x2] =	stream.indirect.gather [hbm4b:s3+s13], $0x80, s15, s13, $0xb8;
	[tilespmem:$0x19400] =	vst v63  }
0x35: {  	s24 =	smov.u32 s22  }
0x36: {  	p0 =	sne.s32 s22, $0x1838;
	s22 =	sadd.s32 $0x64, s22;
	_ =	swait.ge [sflag:s17], $0xC800  }
0x37: {  	[sflag:s17] =	ssyncset.done $0x0  }
0x38: {  	s25 =	sadd.s32 $0xFFFFE700, s23;
	[sflag:s17] =	ssyncadd.s32 $0xFFFF3800  }
0x39: {  	[hbm4b:s25+s2] =	stream.linear.scatter [tilespmem:s14], [sflag:$0x3], $0xC800, $0x38;
	[tilespmem:$0x19400] =	vst v63  }
0x3a: {  	_ =	swait.ge [sflag:s18], $0xC800  }
0x3b: {  	[sflag:s18] =	ssyncset.done $0x0  }
0x3c: {  	s25 =	sadd.s32 s24, s11;
	[sflag:s18] =	ssyncadd.s32 $0xFFFF3800  }
0x3d: {  	[tilespmem:s2], [sflag:$0x5] =	stream.linear.gather [hbm4b:s25+s2], $0x190, $0x38;
	[tilespmem:$0x19400] =	vst v63  }
0x3e: {  	_ =	swait.ge [sflag:s12], $0x190  }
0x3f: {  	[sflag:s12] =	ssyncset.done $0x0  }
0x40: {  	[sflag:s12] =	ssyncadd.s32 $0xFFFFFE70  }
0x41: {  	[tilespmem:s14], [sflag:$0x1] =	stream.indirect.gather [hbm4b:s3+s13], $0x80, s2, s13, $0xb8;
	[tilespmem:$0x19400] =	vst v63  }
0x42: {  	_ =	swait.ge [sflag:s19], $0xC800  }
0x43: {  	[sflag:s19] =	ssyncset.done $0x0  }
0x44: {  	[sflag:s19] =	ssyncadd.s32 $0xFFFF3800  }
0x45: {  	[hbm4b:s23+s2] =	stream.linear.scatter [tilespmem:s16], [sflag:$0x4], $0xC800, $0x38;
	[tilespmem:$0x19400] =	vst v63  }
0x46: {  	_ =	swait.ge [sflag:s20], $0xC800  }
0x47: {  	[sflag:s20] =	ssyncset.done $0x0  }
.Ltmp0:
0x48: {  	s24 =	sadd.s32 s24, s9;
	[sflag:s20] =	ssyncadd.s32 $0xFFFF3800;
	(pc) =	sbr.rel @p0 .LBB2_2-.Ltmp0, $4  }
0x49: {  	[tilespmem:s15], [sflag:$0x5] =	stream.linear.gather [hbm4b:s24+s2], $0x190, $0x38;
	[tilespmem:$0x19400] =	vst v63  }
0x4a: {  	_ =	swait.ge [sflag:s12], $0x190  }
0x4b: {  	[sflag:s12] =	ssyncset.done $0x0  }
0x4c: {  	s23 =	sadd.s32 $0x3200, s23;
	[sflag:s12] =	ssyncadd.s32 $0xFFFFFE70  }
0x4d: {  	[tilespmem:s16], [sflag:$0x2] =	stream.indirect.gather [hbm4b:s3+s13], $0x80, s15, s13, $0xb8;
	[tilespmem:$0x19400] =	vst v63  }
0x4e: {  	_ =	swait.ge [sflag:s17], $0xC800  }
0x4f: {  	[sflag:s17] =	ssyncset.done $0x0  }
0x50: {  	[sflag:s17] =	ssyncadd.s32 $0xFFFF3800  }
0x51: {  	[hbm4b:s7+s2] =	stream.linear.scatter [tilespmem:s14], [sflag:$0x3], $0xC800, $0x38;
	[tilespmem:$0x19400] =	vst v63  }
0x52: {  	_ =	swait.ge [sflag:s19], $0xC800  }
0x53: {  	[sflag:s19] =	ssyncset.done $0x0  }
0x54: {  	s21 =	sadd.s32 $0x1, s21;
	[sflag:s19] =	ssyncadd.s32 $0xFFFF3800  }
0x55: {  	[hbm4b:s8+s2] =	stream.linear.scatter [tilespmem:s16], [sflag:$0x4], $0xC800, $0x38;
	[tilespmem:$0x19400] =	vst v63  }
0x56: {  	p0 =	sne.s32 s21, s6;
	_ =	swait.ge [sflag:s18], $0xC800  }
.Ltmp1:
0x57: {  	[sflag:s18] =	ssyncset.done $0x0;
	(pc) =	sbr.rel @p0 .LBB2_1-.Ltmp1, $4  }
0x58: {  	[sflag:s18] =	ssyncadd.s32 $0xFFFF3800  }
0x59: {  	_ =	swait.ge [sflag:s20], $0xC800  }
0x5a: {  	[sflag:s20] =	ssyncset.done $0x0  }
0x5b: {  	[sflag:s20] =	ssyncadd.s32 $0xFFFF3800  }
0x5c: {  	_ =	sfence.sel $0x180000  }
0x5d: {  	[bflag:$0x0] =	sbarrier.arrive $0xFFFF  }
0x5e: {  	p0 =	sne.s32 s1, $0x0;
	_ =	strace $0x90000047  }
0x5f: {  	s0 =	sadd.s32 @!p0 $0x100000, s0;
	[bflag:$0x2] =	sbarrier.arrive $0xFFFF  }
0x60: {  	[sflag:s0] =	ssyncadd.tile.s32 @!p0 $0x1;
	_ =	shalt  }
.Lfunc_end2:
_tile_overlayer_lowered:
.L_overlay_start_2:
0x61: {  	(tag) =	ssettag $0x2  }
0x62: {  	s0 =	rddreg [dreg:$0x0];
	s2 =	stileid.u32  }
0x63: {  	s1 =	rddreg [dreg:$0x1];
	p0 =	sne.s32 s2, $0x0  }
0x64: {  	s3 =	rddreg [dreg:$0x2];
	[bflag:$0x3] =	sbarrier.arrive $0xFFFF;
	s2 =	simm.s32 @!p0 $0x1C05  }
0x65: {  	[timem:s3], [sflag:s2] =	dma.local @!p0 [hbm:s0], s1  }
0x66: {  	s0 =	simm.s32 @!p0 $0x5  }
0x67: {  	_ =	swait.ge @!p0 [sflag:s0], s1  }
0x68: {  	s1 =	ssub.s32 @!p0 $0x0, s1;
	[sflag:s0] =	ssyncset.done @!p0 $0x0  }
0x69: {  	[sflag:s0] =	ssyncadd.s32 @!p0 s1  }
0x6a: {  	[bflag:$0x3] =	sbarrier.arrive $0xFFFF  }
0x6b: {  	_ =	shalt  }

</sc_bundles>
